<compile_context>
chip_gen: v7x
topology: tpu7x:2x2x1
jax: 0.10.2.dev20260603
libtpu: 0.0.44.dev20260713+nightly
codegen_flags: <defaults>
</compile_context>

<pallas_src>
import functools

import jax
import jax.numpy as jnp
from jax import lax
from jax.experimental import pallas as pl
from jax.experimental.pallas import tpu as pltpu
from jax.experimental.pallas import tpu_sc as plsc

H = 16
KM = 4
DIM = 2
IDX_CHUNK = 128
OW = 128


def _sc_gather(w1f, bwme, r1, r2):
    n = r1.shape[0]
    info = plsc.get_sparse_core_info()
    nc, ns = info.num_cores, info.num_subcores
    nw = nc * ns
    bpw = n // nw
    nch = bpw // IDX_CHUNK

    mesh = plsc.VectorSubcoreMesh(core_axis_name="c", subcore_axis_name="s")
    f32 = jnp.float32
    out_type = [
        jax.ShapeDtypeStruct((n, OW), f32),
        jax.ShapeDtypeStruct((n, OW), f32),
    ]
    scratch_types = [
        pltpu.VMEM((bpw,), jnp.int32),
        pltpu.VMEM((bpw,), jnp.int32),
        pltpu.VMEM((bpw, 2 * H), f32),
        pltpu.VMEM((bpw, 3 * H), f32),
        pltpu.VMEM((bpw, 2 * H), f32),
        pltpu.VMEM((bpw, 3 * H), f32),
        pltpu.SemaphoreType.DMA,
    ]

    @functools.partial(pl.kernel, mesh=mesh, out_type=out_type,
                       scratch_types=scratch_types,
                       compiler_params=pltpu.CompilerParams(
                           use_tc_tiling_on_sc=False))
    def k(tw1, tbw, r1h, r2h, oa, ob,
          i1, i2, bw1a, bwmea, bw1b, bwmeb, sem):
        wid = lax.axis_index("s") * nc + lax.axis_index("c")
        base = wid * bpw
        pltpu.sync_copy(r1h.at[pl.ds(base, bpw)], i1)
        pltpu.sync_copy(r2h.at[pl.ds(base, bpw)], i2)
        handles = []
        for idxv, bufs in ((i1, (bw1a, bwmea)),
                           (i2, (bw1b, bwmeb))):
            for tbl, buf in zip((tw1, tbw), bufs):
                for c in range(nch):
                    handles.append(pltpu.async_copy(
                        tbl.at[idxv.at[pl.ds(c * IDX_CHUNK, IDX_CHUNK)]],
                        buf.at[pl.ds(c * IDX_CHUNK, IDX_CHUNK), :],
                        sem))
        for hdl in handles:
            hdl.wait()
        for out, bufs in ((oa, (bw1a, bwmea)),
                          (ob, (bw1b, bwmeb))):
            col = 0
            for buf in bufs:
                w = buf.shape[1]
                pltpu.sync_copy(buf, out.at[pl.ds(base, bpw), pl.ds(col, w)])
                col += w

    return k(w1f, bwme, r1, r2)


def _tc_body(ga_r, gb_r, out_r):
    def parts(g):
        t = g.T
        return (t[:H], t[H:2 * H],
                t[2 * H:3 * H], t[3 * H:4 * H],
                t[64:72], t[72:76], t[76:77])

    a0, a1, ab1, aw2, amx, amm, ab2 = parts(ga_r[...])
    b0, b1v, bb1, bw2, bmx, bmm, bb2 = parts(gb_r[...])

    def side(w1d0, w1d1, b1f, w2f, b2f, mxm, mmm):
        u = jnp.zeros_like(b1f)
        for k in range(KM):
            z = (w1d0 * mxm[2 * k:2 * k + 1]
                 + w1d1 * mxm[2 * k + 1:2 * k + 2] + b1f)
            u = u + mmm[k:k + 1] * jnp.tanh(z)
        s = jnp.sum(u * w2f, axis=0)
        return s + b2f[0] * jnp.sum(mmm, axis=0)

    s1 = side(a0, a1, ab1, aw2, ab2, bmx, bmm)
    s2 = side(b0, b1v, bb1, bw2, bb2, amx, amm)
    out_r[...] = s1 + s2


def _tc_compute(ga, gb):
    n = ga.shape[0]
    bt = 4096
    return pl.pallas_call(
        _tc_body,
        grid=(n // bt,),
        in_specs=[pl.BlockSpec((bt, OW), lambda i: (i, 0)),
                  pl.BlockSpec((bt, OW), lambda i: (i, 0))],
        out_specs=pl.BlockSpec((bt,), lambda i: (i,)),
        out_shape=jax.ShapeDtypeStruct((n,), jnp.float32),
    )(ga, gb)


def kernel(pairs, W1, b1, w2, b2, mx, mm):
    v = W1.shape[0]
    r1 = pairs[:, 0].astype(jnp.int32)
    r2 = pairs[:, 1].astype(jnp.int32)
    w1f = jnp.swapaxes(W1, 1, 2).reshape(v, 2 * H)
    bwme = jnp.concatenate(
        [b1, w2, mx.reshape(v, KM * DIM), mm, b2[:, None],
         jnp.zeros((v, H - KM * DIM - KM - 1), jnp.float32)], axis=1)
    ga, gb = _sc_gather(w1f, bwme, r1, r2)
    return _tc_compute(ga, gb)

# --- scband reference (transcript-rebuilt; emitter-appended) ---
"""Pipeline reference for scband-fireword-10823317585938 (READ-ONLY COPY).

The authoritative reference and input builder live on the scoring server;
editing this copy changes nothing except your own understanding.
"""

import jax, jax.numpy as jnp
import numpy as np

VOCAB = 100000
DIM = 2
H = 16
K = 4
N = 16384


def setup_inputs(seed: int = 0) -> dict:
    key = jax.random.key(seed)
    ks = jax.random.split(key, 7)
    pairs = jax.random.randint(ks[0], (N, 2), 0, VOCAB).astype(jnp.int64)
    # Per-word functional (planar MLP) parameter stacks: f_i(x) = w2_i . tanh(W1_i x + b1_i) + b2_i
    W1 = (jax.random.normal(ks[1], (VOCAB, H, DIM), dtype=jnp.float32) * 0.1)
    b1 = (jax.random.normal(ks[2], (VOCAB, H), dtype=jnp.float32) * 0.1)
    w2 = (jax.random.normal(ks[3], (VOCAB, H), dtype=jnp.float32) * 0.1)
    b2 = (jax.random.normal(ks[4], (VOCAB,), dtype=jnp.float32) * 0.1)
    # Per-word DiracMixture measure parameter stacks: locations mx and masses mm
    mx = jax.random.normal(ks[5], (VOCAB, K, DIM), dtype=jnp.float32)
    mm = jax.random.uniform(ks[6], (VOCAB, K), dtype=jnp.float32)
    return {"pairs": pairs, "W1": W1, "b1": b1, "w2": w2, "b2": b2, "mx": mx, "mm": mm}


def _func_eval(W1s, b1s, w2s, b2s, x):
    # W1s: [n, H, DIM], b1s: [n, H], w2s: [n, H], b2s: [n], x: [n, K, DIM]
    h = jnp.tanh(jnp.einsum("nhd,nkd->nkh", W1s, x) + b1s[:, None, :])
    return jnp.einsum("nkh,nh->nk", h, w2s) + b2s[:, None]


def reference(pairs, W1, b1, w2, b2, mx, mm):
    # FIREWord.forward on each column of `pairs` (StackingSlicing.__getitem__ == embedding-style
    # row gather of every per-word parameter stack), followed by the FIREWordSlice pairing
    # used in loss_skipgram: logits = measure2.integral(func1) + measure1.integral(func2).
    r1 = pairs[:, 0]
    r2 = pairs[:, 1]
    # slice (gather) funcs and measures for both rank sets -- the memory-bound lookup
    W1a = jnp.take(W1, r1, axis=0); b1a = jnp.take(b1, r1, axis=0)
    w2a = jnp.take(w2, r1, axis=0); b2a = jnp.take(b2, r1, axis=0)
    mxa = jnp.take(mx, r1, axis=0); mma = jnp.take(mm, r1, axis=0)
    W1b = jnp.take(W1, r2, axis=0); b1b = jnp.take(b1, r2, axis=0)
    w2b = jnp.take(w2, r2, axis=0); b2b = jnp.take(b2, r2, axis=0)
    mxb = jnp.take(mx, r2, axis=0); mmb = jnp.take(mm, r2, axis=0)
    # measure_b.integral(func_a) = sum_k m_b[k] * f_a(x_b[k])
    sim1 = jnp.sum(mmb * _func_eval(W1a, b1a, w2a, b2a, mxb), axis=-1)
    # measure_a.integral(func_b)
    sim2 = jnp.sum(mma * _func_eval(W1b, b1b, w2b, b2b, mxa), axis=-1)
    return sim1 + sim2

if __name__ == "__main__":
    import jax
    _d = setup_inputs()
    print(jax.jit(kernel)(*tuple(_d.values())))

</pallas_src>

<mosaic_0001>
#map = affine_map<(d0, d1) -> (0, 0)>
#map1 = affine_map<(d0, d1) -> (0)>
module attributes {stable_mosaic.version = 14 : i64} {
  func.func @k(%arg0: i32, %arg1: i32, %arg2: memref<100000x32xf32, #tpu.memory_space<hbm>>, %arg3: memref<100000x48xf32, #tpu.memory_space<hbm>>, %arg4: memref<16384xi32, #tpu.memory_space<hbm>>, %arg5: memref<16384xi32, #tpu.memory_space<hbm>>, %arg6: memref<16384x128xf32, #tpu.memory_space<hbm>>, %arg7: memref<16384x128xf32, #tpu.memory_space<hbm>>, %arg8: memref<512xi32, #tpu.memory_space<vmem>>, %arg9: memref<512xi32, #tpu.memory_space<vmem>>, %arg10: memref<512x32xf32, #tpu.memory_space<vmem>>, %arg11: memref<512x48xf32, #tpu.memory_space<vmem>>, %arg12: memref<512x32xf32, #tpu.memory_space<vmem>>, %arg13: memref<512x48xf32, #tpu.memory_space<vmem>>, %arg14: memref<!tpu.dma_semaphore, #tpu.memory_space<semaphore_mem>>) attributes {dimension_semantics = [#tpu.dimension_semantics<core_parallel>, #tpu.dimension_semantics<subcore_parallel>], iteration_bounds = array<i64: 2, 16>, scalar_prefetch = 0 : i64, scratch_operands = 7 : i64, tpu.core_type = #tpu.core_type<sc_vector_subcore>, window_params = [{transform_indices = #map}, {transform_indices = #map}, {transform_indices = #map1}, {transform_indices = #map1}, {transform_indices = #map}, {transform_indices = #map}]} {
    %mul3A = arith.constant 2 : i32
    %mul3A_0 = arith.muli %arg1, %mul3A : i32
    %add3A = arith.addi %mul3A_0, %arg0 : i32
    %mul3A_1 = arith.constant 512 : i32
    %mul3A_2 = arith.muli %add3A, %mul3A_1 : i32
    "tpu.region"() ({
      %run_scoped3A = tpu.sem_alloc : memref<!tpu.dma_semaphore, #tpu.memory_space<semaphore_mem>>
      %dma_start3A_257 = tpu.memref_slice %arg4[%mul3A_2] : memref<16384xi32, #tpu.memory_space<hbm>> -> memref<512xi32, #tpu.memory_space<hbm>>
      %dma_start3A_258 = tpu.memref_slice %arg4[%mul3A_2] : memref<16384xi32, #tpu.memory_space<hbm>> -> memref<512xi32, #tpu.memory_space<hbm>>
      tpu.enqueue_dma source(%dma_start3A_258 : memref<512xi32, #tpu.memory_space<hbm>>) target(%arg8 : memref<512xi32, #tpu.memory_space<vmem>>) target_semaphore(%run_scoped3A : memref<!tpu.dma_semaphore, #tpu.memory_space<semaphore_mem>>)
      %dma_wait3A_259 = tpu.memref_slice %arg4[%mul3A_2] : memref<16384xi32, #tpu.memory_space<hbm>> -> memref<512xi32, #tpu.memory_space<hbm>>
      %dma_wait3A_260 = tpu.memref_slice %arg4[%mul3A_2] : memref<16384xi32, #tpu.memory_space<hbm>> -> memref<512xi32, #tpu.memory_space<hbm>>
      tpu.wait_dma2 semaphore(%run_scoped3A : memref<!tpu.dma_semaphore, #tpu.memory_space<semaphore_mem>>) src(%dma_wait3A_260 : memref<512xi32, #tpu.memory_space<hbm>>) dst(%arg8 : memref<512xi32, #tpu.memory_space<vmem>>)
      tpu.yield
    }) : () -> ()
    "tpu.region"() ({
      %run_scoped3A = tpu.sem_alloc : memref<!tpu.dma_semaphore, #tpu.memory_space<semaphore_mem>>
      %dma_start3A_257 = tpu.memref_slice %arg5[%mul3A_2] : memref<16384xi32, #tpu.memory_space<hbm>> -> memref<512xi32, #tpu.memory_space<hbm>>
      %dma_start3A_258 = tpu.memref_slice %arg5[%mul3A_2] : memref<16384xi32, #tpu.memory_space<hbm>> -> memref<512xi32, #tpu.memory_space<hbm>>
      tpu.enqueue_dma source(%dma_start3A_258 : memref<512xi32, #tpu.memory_space<hbm>>) target(%arg9 : memref<512xi32, #tpu.memory_space<vmem>>) target_semaphore(%run_scoped3A : memref<!tpu.dma_semaphore, #tpu.memory_space<semaphore_mem>>)
      %dma_wait3A_259 = tpu.memref_slice %arg5[%mul3A_2] : memref<16384xi32, #tpu.memory_space<hbm>> -> memref<512xi32, #tpu.memory_space<hbm>>
      %dma_wait3A_260 = tpu.memref_slice %arg5[%mul3A_2] : memref<16384xi32, #tpu.memory_space<hbm>> -> memref<512xi32, #tpu.memory_space<hbm>>
      tpu.wait_dma2 semaphore(%run_scoped3A : memref<!tpu.dma_semaphore, #tpu.memory_space<semaphore_mem>>) src(%dma_wait3A_260 : memref<512xi32, #tpu.memory_space<hbm>>) dst(%arg9 : memref<512xi32, #tpu.memory_space<vmem>>)
      tpu.yield
    }) : () -> ()
    %dma_start3A = arith.constant 0 : i32
    %dma_start3A_3 = arith.constant 0 : i32
    %dma_start3A_4 = tpu.memref_slice %arg10[%dma_start3A, %dma_start3A_3] : memref<512x32xf32, #tpu.memory_space<vmem>> -> memref<128x32xf32, #tpu.memory_space<vmem>>
    %dma_start3A_5 = arith.constant 0 : i32
    %dma_start3A_6 = tpu.memref_slice %arg8[%dma_start3A_5] : memref<512xi32, #tpu.memory_space<vmem>> -> memref<128xi32, #tpu.memory_space<vmem>>
    %dma_start3A_7 = arith.constant 0 : i32
    %dma_start3A_8 = arith.constant 0 : i32
    %dma_start3A_9 = tpu.memref_slice %arg2[%dma_start3A_7, %dma_start3A_8] : memref<100000x32xf32, #tpu.memory_space<hbm>> -> memref<100000x32xf32, #tpu.memory_space<hbm>>
    tpu.enqueue_indirect_dma source(%dma_start3A_9 : memref<100000x32xf32, #tpu.memory_space<hbm>>) target(%dma_start3A_4 : memref<128x32xf32, #tpu.memory_space<vmem>>) offsets(%dma_start3A_6 : memref<128xi32, #tpu.memory_space<vmem>>) semaphore(%arg14 : memref<!tpu.dma_semaphore, #tpu.memory_space<semaphore_mem>>)
    %dma_start3A_10 = arith.constant 128 : i32
    %dma_start3A_11 = arith.constant 0 : i32
    %dma_start3A_12 = tpu.memref_slice %arg10[%dma_start3A_10, %dma_start3A_11] : memref<512x32xf32, #tpu.memory_space<vmem>> -> memref<128x32xf32, #tpu.memory_space<vmem>>
    %dma_start3A_13 = arith.constant 128 : i32
    %dma_start3A_14 = tpu.memref_slice %arg8[%dma_start3A_13] : memref<512xi32, #tpu.memory_space<vmem>> -> memref<128xi32, #tpu.memory_space<vmem>>
    %dma_start3A_15 = arith.constant 0 : i32
    %dma_start3A_16 = arith.constant 0 : i32
    %dma_start3A_17 = tpu.memref_slice %arg2[%dma_start3A_15, %dma_start3A_16] : memref<100000x32xf32, #tpu.memory_space<hbm>> -> memref<100000x32xf32, #tpu.memory_space<hbm>>
    tpu.enqueue_indirect_dma source(%dma_start3A_17 : memref<100000x32xf32, #tpu.memory_space<hbm>>) target(%dma_start3A_12 : memref<128x32xf32, #tpu.memory_space<vmem>>) offsets(%dma_start3A_14 : memref<128xi32, #tpu.memory_space<vmem>>) semaphore(%arg14 : memref<!tpu.dma_semaphore, #tpu.memory_space<semaphore_mem>>)
    %dma_start3A_18 = arith.constant 256 : i32
    %dma_start3A_19 = arith.constant 0 : i32
    %dma_start3A_20 = tpu.memref_slice %arg10[%dma_start3A_18, %dma_start3A_19] : memref<512x32xf32, #tpu.memory_space<vmem>> -> memref<128x32xf32, #tpu.memory_space<vmem>>
    %dma_start3A_21 = arith.constant 256 : i32
    %dma_start3A_22 = tpu.memref_slice %arg8[%dma_start3A_21] : memref<512xi32, #tpu.memory_space<vmem>> -> memref<128xi32, #tpu.memory_space<vmem>>
    %dma_start3A_23 = arith.constant 0 : i32
    %dma_start3A_24 = arith.constant 0 : i32
    %dma_start3A_25 = tpu.memref_slice %arg2[%dma_start3A_23, %dma_start3A_24] : memref<100000x32xf32, #tpu.memory_space<hbm>> -> memref<100000x32xf32, #tpu.memory_space<hbm>>
    tpu.enqueue_indirect_dma source(%dma_start3A_25 : memref<100000x32xf32, #tpu.memory_space<hbm>>) target(%dma_start3A_20 : memref<128x32xf32, #tpu.memory_space<vmem>>) offsets(%dma_start3A_22 : memref<128xi32, #tpu.memory_space<vmem>>) semaphore(%arg14 : memref<!tpu.dma_semaphore, #tpu.memory_space<semaphore_mem>>)
    %dma_start3A_26 = arith.constant 384 : i32
    %dma_start3A_27 = arith.constant 0 : i32
    %dma_start3A_28 = tpu.memref_slice %arg10[%dma_start3A_26, %dma_start3A_27] : memref<512x32xf32, #tpu.memory_space<vmem>> -> memref<128x32xf32, #tpu.memory_space<vmem>>
    %dma_start3A_29 = arith.constant 384 : i32
    %dma_start3A_30 = tpu.memref_slice %arg8[%dma_start3A_29] : memref<512xi32, #tpu.memory_space<vmem>> -> memref<128xi32, #tpu.memory_space<vmem>>
    %dma_start3A_31 = arith.constant 0 : i32
    %dma_start3A_32 = arith.constant 0 : i32
    %dma_start3A_33 = tpu.memref_slice %arg2[%dma_start3A_31, %dma_start3A_32] : memref<100000x32xf32, #tpu.memory_space<hbm>> -> memref<100000x32xf32, #tpu.memory_space<hbm>>
    tpu.enqueue_indirect_dma source(%dma_start3A_33 : memref<100000x32xf32, #tpu.memory_space<hbm>>) target(%dma_start3A_28 : memref<128x32xf32, #tpu.memory_space<vmem>>) offsets(%dma_start3A_30 : memref<128xi32, #tpu.memory_space<vmem>>) semaphore(%arg14 : memref<!tpu.dma_semaphore, #tpu.memory_space<semaphore_mem>>)
    %dma_start3A_34 = arith.constant 0 : i32
    %dma_start3A_35 = arith.constant 0 : i32
    %dma_start3A_36 = tpu.memref_slice %arg11[%dma_start3A_34, %dma_start3A_35] : memref<512x48xf32, #tpu.memory_space<vmem>> -> memref<128x48xf32, #tpu.memory_space<vmem>>
    %dma_start3A_37 = arith.constant 0 : i32
    %dma_start3A_38 = tpu.memref_slice %arg8[%dma_start3A_37] : memref<512xi32, #tpu.memory_space<vmem>> -> memref<128xi32, #tpu.memory_space<vmem>>
    %dma_start3A_39 = arith.constant 0 : i32
    %dma_start3A_40 = arith.constant 0 : i32
    %dma_start3A_41 = tpu.memref_slice %arg3[%dma_start3A_39, %dma_start3A_40] : memref<100000x48xf32, #tpu.memory_space<hbm>> -> memref<100000x48xf32, #tpu.memory_space<hbm>>
    tpu.enqueue_indirect_dma source(%dma_start3A_41 : memref<100000x48xf32, #tpu.memory_space<hbm>>) target(%dma_start3A_36 : memref<128x48xf32, #tpu.memory_space<vmem>>) offsets(%dma_start3A_38 : memref<128xi32, #tpu.memory_space<vmem>>) semaphore(%arg14 : memref<!tpu.dma_semaphore, #tpu.memory_space<semaphore_mem>>)
    %dma_start3A_42 = arith.constant 128 : i32
    %dma_start3A_43 = arith.constant 0 : i32
    %dma_start3A_44 = tpu.memref_slice %arg11[%dma_start3A_42, %dma_start3A_43] : memref<512x48xf32, #tpu.memory_space<vmem>> -> memref<128x48xf32, #tpu.memory_space<vmem>>
    %dma_start3A_45 = arith.constant 128 : i32
    %dma_start3A_46 = tpu.memref_slice %arg8[%dma_start3A_45] : memref<512xi32, #tpu.memory_space<vmem>> -> memref<128xi32, #tpu.memory_space<vmem>>
    %dma_start3A_47 = arith.constant 0 : i32
    %dma_start3A_48 = arith.constant 0 : i32
    %dma_start3A_49 = tpu.memref_slice %arg3[%dma_start3A_47, %dma_start3A_48] : memref<100000x48xf32, #tpu.memory_space<hbm>> -> memref<100000x48xf32, #tpu.memory_space<hbm>>
    tpu.enqueue_indirect_dma source(%dma_start3A_49 : memref<100000x48xf32, #tpu.memory_space<hbm>>) target(%dma_start3A_44 : memref<128x48xf32, #tpu.memory_space<vmem>>) offsets(%dma_start3A_46 : memref<128xi32, #tpu.memory_space<vmem>>) semaphore(%arg14 : memref<!tpu.dma_semaphore, #tpu.memory_space<semaphore_mem>>)
    %dma_start3A_50 = arith.constant 256 : i32
    %dma_start3A_51 = arith.constant 0 : i32
    %dma_start3A_52 = tpu.memref_slice %arg11[%dma_start3A_50, %dma_start3A_51] : memref<512x48xf32, #tpu.memory_space<vmem>> -> memref<128x48xf32, #tpu.memory_space<vmem>>
    %dma_start3A_53 = arith.constant 256 : i32
    %dma_start3A_54 = tpu.memref_slice %arg8[%dma_start3A_53] : memref<512xi32, #tpu.memory_space<vmem>> -> memref<128xi32, #tpu.memory_space<vmem>>
    %dma_start3A_55 = arith.constant 0 : i32
    %dma_start3A_56 = arith.constant 0 : i32
    %dma_start3A_57 = tpu.memref_slice %arg3[%dma_start3A_55, %dma_start3A_56] : memref<100000x48xf32, #tpu.memory_space<hbm>> -> memref<100000x48xf32, #tpu.memory_space<hbm>>
    tpu.enqueue_indirect_dma source(%dma_start3A_57 : memref<100000x48xf32, #tpu.memory_space<hbm>>) target(%dma_start3A_52 : memref<128x48xf32, #tpu.memory_space<vmem>>) offsets(%dma_start3A_54 : memref<128xi32, #tpu.memory_space<vmem>>) semaphore(%arg14 : memref<!tpu.dma_semaphore, #tpu.memory_space<semaphore_mem>>)
    %dma_start3A_58 = arith.constant 384 : i32
    %dma_start3A_59 = arith.constant 0 : i32
    %dma_start3A_60 = tpu.memref_slice %arg11[%dma_start3A_58, %dma_start3A_59] : memref<512x48xf32, #tpu.memory_space<vmem>> -> memref<128x48xf32, #tpu.memory_space<vmem>>
    %dma_start3A_61 = arith.constant 384 : i32
    %dma_start3A_62 = tpu.memref_slice %arg8[%dma_start3A_61] : memref<512xi32, #tpu.memory_space<vmem>> -> memref<128xi32, #tpu.memory_space<vmem>>
    %dma_start3A_63 = arith.constant 0 : i32
    %dma_start3A_64 = arith.constant 0 : i32
    %dma_start3A_65 = tpu.memref_slice %arg3[%dma_start3A_63, %dma_start3A_64] : memref<100000x48xf32, #tpu.memory_space<hbm>> -> memref<100000x48xf32, #tpu.memory_space<hbm>>
    tpu.enqueue_indirect_dma source(%dma_start3A_65 : memref<100000x48xf32, #tpu.memory_space<hbm>>) target(%dma_start3A_60 : memref<128x48xf32, #tpu.memory_space<vmem>>) offsets(%dma_start3A_62 : memref<128xi32, #tpu.memory_space<vmem>>) semaphore(%arg14 : memref<!tpu.dma_semaphore, #tpu.memory_space<semaphore_mem>>)
    %dma_start3A_66 = arith.constant 0 : i32
    %dma_start3A_67 = arith.constant 0 : i32
    %dma_start3A_68 = tpu.memref_slice %arg12[%dma_start3A_66, %dma_start3A_67] : memref<512x32xf32, #tpu.memory_space<vmem>> -> memref<128x32xf32, #tpu.memory_space<vmem>>
    %dma_start3A_69 = arith.constant 0 : i32
    %dma_start3A_70 = tpu.memref_slice %arg9[%dma_start3A_69] : memref<512xi32, #tpu.memory_space<vmem>> -> memref<128xi32, #tpu.memory_space<vmem>>
    %dma_start3A_71 = arith.constant 0 : i32
    %dma_start3A_72 = arith.constant 0 : i32
    %dma_start3A_73 = tpu.memref_slice %arg2[%dma_start3A_71, %dma_start3A_72] : memref<100000x32xf32, #tpu.memory_space<hbm>> -> memref<100000x32xf32, #tpu.memory_space<hbm>>
    tpu.enqueue_indirect_dma source(%dma_start3A_73 : memref<100000x32xf32, #tpu.memory_space<hbm>>) target(%dma_start3A_68 : memref<128x32xf32, #tpu.memory_space<vmem>>) offsets(%dma_start3A_70 : memref<128xi32, #tpu.memory_space<vmem>>) semaphore(%arg14 : memref<!tpu.dma_semaphore, #tpu.memory_space<semaphore_mem>>)
    %dma_start3A_74 = arith.constant 128 : i32
    %dma_start3A_75 = arith.constant 0 : i32
    %dma_start3A_76 = tpu.memref_slice %arg12[%dma_start3A_74, %dma_start3A_75] : memref<512x32xf32, #tpu.memory_space<vmem>> -> memref<128x32xf32, #tpu.memory_space<vmem>>
    %dma_start3A_77 = arith.constant 128 : i32
    %dma_start3A_78 = tpu.memref_slice %arg9[%dma_start3A_77] : memref<512xi32, #tpu.memory_space<vmem>> -> memref<128xi32, #tpu.memory_space<vmem>>
    %dma_start3A_79 = arith.constant 0 : i32
    %dma_start3A_80 = arith.constant 0 : i32
    %dma_start3A_81 = tpu.memref_slice %arg2[%dma_start3A_79, %dma_start3A_80] : memref<100000x32xf32, #tpu.memory_space<hbm>> -> memref<100000x32xf32, #tpu.memory_space<hbm>>
    tpu.enqueue_indirect_dma source(%dma_start3A_81 : memref<100000x32xf32, #tpu.memory_space<hbm>>) target(%dma_start3A_76 : memref<128x32xf32, #tpu.memory_space<vmem>>) offsets(%dma_start3A_78 : memref<128xi32, #tpu.memory_space<vmem>>) semaphore(%arg14 : memref<!tpu.dma_semaphore, #tpu.memory_space<semaphore_mem>>)
    %dma_start3A_82 = arith.constant 256 : i32
    %dma_start3A_83 = arith.constant 0 : i32
    %dma_start3A_84 = tpu.memref_slice %arg12[%dma_start3A_82, %dma_start3A_83] : memref<512x32xf32, #tpu.memory_space<vmem>> -> memref<128x32xf32, #tpu.memory_space<vmem>>
    %dma_start3A_85 = arith.constant 256 : i32
    %dma_start3A_86 = tpu.memref_slice %arg9[%dma_start3A_85] : memref<512xi32, #tpu.memory_space<vmem>> -> memref<128xi32, #tpu.memory_space<vmem>>
    %dma_start3A_87 = arith.constant 0 : i32
    %dma_start3A_88 = arith.constant 0 : i32
    %dma_start3A_89 = tpu.memref_slice %arg2[%dma_start3A_87, %dma_start3A_88] : memref<100000x32xf32, #tpu.memory_space<hbm>> -> memref<100000x32xf32, #tpu.memory_space<hbm>>
    tpu.enqueue_indirect_dma source(%dma_start3A_89 : memref<100000x32xf32, #tpu.memory_space<hbm>>) target(%dma_start3A_84 : memref<128x32xf32, #tpu.memory_space<vmem>>) offsets(%dma_start3A_86 : memref<128xi32, #tpu.memory_space<vmem>>) semaphore(%arg14 : memref<!tpu.dma_semaphore, #tpu.memory_space<semaphore_mem>>)
    %dma_start3A_90 = arith.constant 384 : i32
    %dma_start3A_91 = arith.constant 0 : i32
    %dma_start3A_92 = tpu.memref_slice %arg12[%dma_start3A_90, %dma_start3A_91] : memref<512x32xf32, #tpu.memory_space<vmem>> -> memref<128x32xf32, #tpu.memory_space<vmem>>
    %dma_start3A_93 = arith.constant 384 : i32
    %dma_start3A_94 = tpu.memref_slice %arg9[%dma_start3A_93] : memref<512xi32, #tpu.memory_space<vmem>> -> memref<128xi32, #tpu.memory_space<vmem>>
    %dma_start3A_95 = arith.constant 0 : i32
    %dma_start3A_96 = arith.constant 0 : i32
    %dma_start3A_97 = tpu.memref_slice %arg2[%dma_start3A_95, %dma_start3A_96] : memref<100000x32xf32, #tpu.memory_space<hbm>> -> memref<100000x32xf32, #tpu.memory_space<hbm>>
    tpu.enqueue_indirect_dma source(%dma_start3A_97 : memref<100000x32xf32, #tpu.memory_space<hbm>>) target(%dma_start3A_92 : memref<128x32xf32, #tpu.memory_space<vmem>>) offsets(%dma_start3A_94 : memref<128xi32, #tpu.memory_space<vmem>>) semaphore(%arg14 : memref<!tpu.dma_semaphore, #tpu.memory_space<semaphore_mem>>)
    %dma_start3A_98 = arith.constant 0 : i32
    %dma_start3A_99 = arith.constant 0 : i32
    %dma_start3A_100 = tpu.memref_slice %arg13[%dma_start3A_98, %dma_start3A_99] : memref<512x48xf32, #tpu.memory_space<vmem>> -> memref<128x48xf32, #tpu.memory_space<vmem>>
    %dma_start3A_101 = arith.constant 0 : i32
    %dma_start3A_102 = tpu.memref_slice %arg9[%dma_start3A_101] : memref<512xi32, #tpu.memory_space<vmem>> -> memref<128xi32, #tpu.memory_space<vmem>>
    %dma_start3A_103 = arith.constant 0 : i32
    %dma_start3A_104 = arith.constant 0 : i32
    %dma_start3A_105 = tpu.memref_slice %arg3[%dma_start3A_103, %dma_start3A_104] : memref<100000x48xf32, #tpu.memory_space<hbm>> -> memref<100000x48xf32, #tpu.memory_space<hbm>>
    tpu.enqueue_indirect_dma source(%dma_start3A_105 : memref<100000x48xf32, #tpu.memory_space<hbm>>) target(%dma_start3A_100 : memref<128x48xf32, #tpu.memory_space<vmem>>) offsets(%dma_start3A_102 : memref<128xi32, #tpu.memory_space<vmem>>) semaphore(%arg14 : memref<!tpu.dma_semaphore, #tpu.memory_space<semaphore_mem>>)
    %dma_start3A_106 = arith.constant 128 : i32
    %dma_start3A_107 = arith.constant 0 : i32
    %dma_start3A_108 = tpu.memref_slice %arg13[%dma_start3A_106, %dma_start3A_107] : memref<512x48xf32, #tpu.memory_space<vmem>> -> memref<128x48xf32, #tpu.memory_space<vmem>>
    %dma_start3A_109 = arith.constant 128 : i32
    %dma_start3A_110 = tpu.memref_slice %arg9[%dma_start3A_109] : memref<512xi32, #tpu.memory_space<vmem>> -> memref<128xi32, #tpu.memory_space<vmem>>
    %dma_start3A_111 = arith.constant 0 : i32
    %dma_start3A_112 = arith.constant 0 : i32
    %dma_start3A_113 = tpu.memref_slice %arg3[%dma_start3A_111, %dma_start3A_112] : memref<100000x48xf32, #tpu.memory_space<hbm>> -> memref<100000x48xf32, #tpu.memory_space<hbm>>
    tpu.enqueue_indirect_dma source(%dma_start3A_113 : memref<100000x48xf32, #tpu.memory_space<hbm>>) target(%dma_start3A_108 : memref<128x48xf32, #tpu.memory_space<vmem>>) offsets(%dma_start3A_110 : memref<128xi32, #tpu.memory_space<vmem>>) semaphore(%arg14 : memref<!tpu.dma_semaphore, #tpu.memory_space<semaphore_mem>>)
    %dma_start3A_114 = arith.constant 256 : i32
    %dma_start3A_115 = arith.constant 0 : i32
    %dma_start3A_116 = tpu.memref_slice %arg13[%dma_start3A_114, %dma_start3A_115] : memref<512x48xf32, #tpu.memory_space<vmem>> -> memref<128x48xf32, #tpu.memory_space<vmem>>
    %dma_start3A_117 = arith.constant 256 : i32
    %dma_start3A_118 = tpu.memref_slice %arg9[%dma_start3A_117] : memref<512xi32, #tpu.memory_space<vmem>> -> memref<128xi32, #tpu.memory_space<vmem>>
    %dma_start3A_119 = arith.constant 0 : i32
    %dma_start3A_120 = arith.constant 0 : i32
    %dma_start3A_121 = tpu.memref_slice %arg3[%dma_start3A_119, %dma_start3A_120] : memref<100000x48xf32, #tpu.memory_space<hbm>> -> memref<100000x48xf32, #tpu.memory_space<hbm>>
    tpu.enqueue_indirect_dma source(%dma_start3A_121 : memref<100000x48xf32, #tpu.memory_space<hbm>>) target(%dma_start3A_116 : memref<128x48xf32, #tpu.memory_space<vmem>>) offsets(%dma_start3A_118 : memref<128xi32, #tpu.memory_space<vmem>>) semaphore(%arg14 : memref<!tpu.dma_semaphore, #tpu.memory_space<semaphore_mem>>)
    %dma_start3A_122 = arith.constant 384 : i32
    %dma_start3A_123 = arith.constant 0 : i32
    %dma_start3A_124 = tpu.memref_slice %arg13[%dma_start3A_122, %dma_start3A_123] : memref<512x48xf32, #tpu.memory_space<vmem>> -> memref<128x48xf32, #tpu.memory_space<vmem>>
    %dma_start3A_125 = arith.constant 384 : i32
    %dma_start3A_126 = tpu.memref_slice %arg9[%dma_start3A_125] : memref<512xi32, #tpu.memory_space<vmem>> -> memref<128xi32, #tpu.memory_space<vmem>>
    %dma_start3A_127 = arith.constant 0 : i32
    %dma_start3A_128 = arith.constant 0 : i32
    %dma_start3A_129 = tpu.memref_slice %arg3[%dma_start3A_127, %dma_start3A_128] : memref<100000x48xf32, #tpu.memory_space<hbm>> -> memref<100000x48xf32, #tpu.memory_space<hbm>>
    tpu.enqueue_indirect_dma source(%dma_start3A_129 : memref<100000x48xf32, #tpu.memory_space<hbm>>) target(%dma_start3A_124 : memref<128x48xf32, #tpu.memory_space<vmem>>) offsets(%dma_start3A_126 : memref<128xi32, #tpu.memory_space<vmem>>) semaphore(%arg14 : memref<!tpu.dma_semaphore, #tpu.memory_space<semaphore_mem>>)
    %dma_wait3A = arith.constant 0 : i32
    %dma_wait3A_130 = arith.constant 0 : i32
    %dma_wait3A_131 = tpu.memref_slice %arg10[%dma_wait3A, %dma_wait3A_130] : memref<512x32xf32, #tpu.memory_space<vmem>> -> memref<128x32xf32, #tpu.memory_space<vmem>>
    %dma_wait3A_132 = arith.constant 0 : i32
    %dma_wait3A_133 = tpu.memref_slice %arg8[%dma_wait3A_132] : memref<512xi32, #tpu.memory_space<vmem>> -> memref<128xi32, #tpu.memory_space<vmem>>
    %dma_wait3A_134 = arith.constant 0 : i32
    %dma_wait3A_135 = arith.constant 0 : i32
    %dma_wait3A_136 = tpu.memref_slice %arg2[%dma_wait3A_134, %dma_wait3A_135] : memref<100000x32xf32, #tpu.memory_space<hbm>> -> memref<100000x32xf32, #tpu.memory_space<hbm>>
    tpu.wait_indirect_dma semaphore(%arg14 : memref<!tpu.dma_semaphore, #tpu.memory_space<semaphore_mem>>) src(%dma_wait3A_136 : memref<100000x32xf32, #tpu.memory_space<hbm>>) dst(%dma_wait3A_131 : memref<128x32xf32, #tpu.memory_space<vmem>>)
    %dma_wait3A_137 = arith.constant 128 : i32
    %dma_wait3A_138 = arith.constant 0 : i32
    %dma_wait3A_139 = tpu.memref_slice %arg10[%dma_wait3A_137, %dma_wait3A_138] : memref<512x32xf32, #tpu.memory_space<vmem>> -> memref<128x32xf32, #tpu.memory_space<vmem>>
    %dma_wait3A_140 = arith.constant 128 : i32
    %dma_wait3A_141 = tpu.memref_slice %arg8[%dma_wait3A_140] : memref<512xi32, #tpu.memory_space<vmem>> -> memref<128xi32, #tpu.memory_space<vmem>>
    %dma_wait3A_142 = arith.constant 0 : i32
    %dma_wait3A_143 = arith.constant 0 : i32
    %dma_wait3A_144 = tpu.memref_slice %arg2[%dma_wait3A_142, %dma_wait3A_143] : memref<100000x32xf32, #tpu.memory_space<hbm>> -> memref<100000x32xf32, #tpu.memory_space<hbm>>
    tpu.wait_indirect_dma semaphore(%arg14 : memref<!tpu.dma_semaphore, #tpu.memory_space<semaphore_mem>>) src(%dma_wait3A_144 : memref<100000x32xf32, #tpu.memory_space<hbm>>) dst(%dma_wait3A_139 : memref<128x32xf32, #tpu.memory_space<vmem>>)
    %dma_wait3A_145 = arith.constant 256 : i32
    %dma_wait3A_146 = arith.constant 0 : i32
    %dma_wait3A_147 = tpu.memref_slice %arg10[%dma_wait3A_145, %dma_wait3A_146] : memref<512x32xf32, #tpu.memory_space<vmem>> -> memref<128x32xf32, #tpu.memory_space<vmem>>
    %dma_wait3A_148 = arith.constant 256 : i32
    %dma_wait3A_149 = tpu.memref_slice %arg8[%dma_wait3A_148] : memref<512xi32, #tpu.memory_space<vmem>> -> memref<128xi32, #tpu.memory_space<vmem>>
    %dma_wait3A_150 = arith.constant 0 : i32
    %dma_wait3A_151 = arith.constant 0 : i32
    %dma_wait3A_152 = tpu.memref_slice %arg2[%dma_wait3A_150, %dma_wait3A_151] : memref<100000x32xf32, #tpu.memory_space<hbm>> -> memref<100000x32xf32, #tpu.memory_space<hbm>>
    tpu.wait_indirect_dma semaphore(%arg14 : memref<!tpu.dma_semaphore, #tpu.memory_space<semaphore_mem>>) src(%dma_wait3A_152 : memref<100000x32xf32, #tpu.memory_space<hbm>>) dst(%dma_wait3A_147 : memref<128x32xf32, #tpu.memory_space<vmem>>)
    %dma_wait3A_153 = arith.constant 384 : i32
    %dma_wait3A_154 = arith.constant 0 : i32
    %dma_wait3A_155 = tpu.memref_slice %arg10[%dma_wait3A_153, %dma_wait3A_154] : memref<512x32xf32, #tpu.memory_space<vmem>> -> memref<128x32xf32, #tpu.memory_space<vmem>>
    %dma_wait3A_156 = arith.constant 384 : i32
    %dma_wait3A_157 = tpu.memref_slice %arg8[%dma_wait3A_156] : memref<512xi32, #tpu.memory_space<vmem>> -> memref<128xi32, #tpu.memory_space<vmem>>
    %dma_wait3A_158 = arith.constant 0 : i32
    %dma_wait3A_159 = arith.constant 0 : i32
    %dma_wait3A_160 = tpu.memref_slice %arg2[%dma_wait3A_158, %dma_wait3A_159] : memref<100000x32xf32, #tpu.memory_space<hbm>> -> memref<100000x32xf32, #tpu.memory_space<hbm>>
    tpu.wait_indirect_dma semaphore(%arg14 : memref<!tpu.dma_semaphore, #tpu.memory_space<semaphore_mem>>) src(%dma_wait3A_160 : memref<100000x32xf32, #tpu.memory_space<hbm>>) dst(%dma_wait3A_155 : memref<128x32xf32, #tpu.memory_space<vmem>>)
    %dma_wait3A_161 = arith.constant 0 : i32
    %dma_wait3A_162 = arith.constant 0 : i32
    %dma_wait3A_163 = tpu.memref_slice %arg11[%dma_wait3A_161, %dma_wait3A_162] : memref<512x48xf32, #tpu.memory_space<vmem>> -> memref<128x48xf32, #tpu.memory_space<vmem>>
    %dma_wait3A_164 = arith.constant 0 : i32
    %dma_wait3A_165 = tpu.memref_slice %arg8[%dma_wait3A_164] : memref<512xi32, #tpu.memory_space<vmem>> -> memref<128xi32, #tpu.memory_space<vmem>>
    %dma_wait3A_166 = arith.constant 0 : i32
    %dma_wait3A_167 = arith.constant 0 : i32
    %dma_wait3A_168 = tpu.memref_slice %arg3[%dma_wait3A_166, %dma_wait3A_167] : memref<100000x48xf32, #tpu.memory_space<hbm>> -> memref<100000x48xf32, #tpu.memory_space<hbm>>
    tpu.wait_indirect_dma semaphore(%arg14 : memref<!tpu.dma_semaphore, #tpu.memory_space<semaphore_mem>>) src(%dma_wait3A_168 : memref<100000x48xf32, #tpu.memory_space<hbm>>) dst(%dma_wait3A_163 : memref<128x48xf32, #tpu.memory_space<vmem>>)
    %dma_wait3A_169 = arith.constant 128 : i32
    %dma_wait3A_170 = arith.constant 0 : i32
    %dma_wait3A_171 = tpu.memref_slice %arg11[%dma_wait3A_169, %dma_wait3A_170] : memref<512x48xf32, #tpu.memory_space<vmem>> -> memref<128x48xf32, #tpu.memory_space<vmem>>
    %dma_wait3A_172 = arith.constant 128 : i32
    %dma_wait3A_173 = tpu.memref_slice %arg8[%dma_wait3A_172] : memref<512xi32, #tpu.memory_space<vmem>> -> memref<128xi32, #tpu.memory_space<vmem>>
    %dma_wait3A_174 = arith.constant 0 : i32
    %dma_wait3A_175 = arith.constant 0 : i32
    %dma_wait3A_176 = tpu.memref_slice %arg3[%dma_wait3A_174, %dma_wait3A_175] : memref<100000x48xf32, #tpu.memory_space<hbm>> -> memref<100000x48xf32, #tpu.memory_space<hbm>>
    tpu.wait_indirect_dma semaphore(%arg14 : memref<!tpu.dma_semaphore, #tpu.memory_space<semaphore_mem>>) src(%dma_wait3A_176 : memref<100000x48xf32, #tpu.memory_space<hbm>>) dst(%dma_wait3A_171 : memref<128x48xf32, #tpu.memory_space<vmem>>)
    %dma_wait3A_177 = arith.constant 256 : i32
    %dma_wait3A_178 = arith.constant 0 : i32
    %dma_wait3A_179 = tpu.memref_slice %arg11[%dma_wait3A_177, %dma_wait3A_178] : memref<512x48xf32, #tpu.memory_space<vmem>> -> memref<128x48xf32, #tpu.memory_space<vmem>>
    %dma_wait3A_180 = arith.constant 256 : i32
    %dma_wait3A_181 = tpu.memref_slice %arg8[%dma_wait3A_180] : memref<512xi32, #tpu.memory_space<vmem>> -> memref<128xi32, #tpu.memory_space<vmem>>
    %dma_wait3A_182 = arith.constant 0 : i32
    %dma_wait3A_183 = arith.constant 0 : i32
    %dma_wait3A_184 = tpu.memref_slice %arg3[%dma_wait3A_182, %dma_wait3A_183] : memref<100000x48xf32, #tpu.memory_space<hbm>> -> memref<100000x48xf32, #tpu.memory_space<hbm>>
    tpu.wait_indirect_dma semaphore(%arg14 : memref<!tpu.dma_semaphore, #tpu.memory_space<semaphore_mem>>) src(%dma_wait3A_184 : memref<100000x48xf32, #tpu.memory_space<hbm>>) dst(%dma_wait3A_179 : memref<128x48xf32, #tpu.memory_space<vmem>>)
    %dma_wait3A_185 = arith.constant 384 : i32
    %dma_wait3A_186 = arith.constant 0 : i32
    %dma_wait3A_187 = tpu.memref_slice %arg11[%dma_wait3A_185, %dma_wait3A_186] : memref<512x48xf32, #tpu.memory_space<vmem>> -> memref<128x48xf32, #tpu.memory_space<vmem>>
    %dma_wait3A_188 = arith.constant 384 : i32
    %dma_wait3A_189 = tpu.memref_slice %arg8[%dma_wait3A_188] : memref<512xi32, #tpu.memory_space<vmem>> -> memref<128xi32, #tpu.memory_space<vmem>>
    %dma_wait3A_190 = arith.constant 0 : i32
    %dma_wait3A_191 = arith.constant 0 : i32
    %dma_wait3A_192 = tpu.memref_slice %arg3[%dma_wait3A_190, %dma_wait3A_191] : memref<100000x48xf32, #tpu.memory_space<hbm>> -> memref<100000x48xf32, #tpu.memory_space<hbm>>
    tpu.wait_indirect_dma semaphore(%arg14 : memref<!tpu.dma_semaphore, #tpu.memory_space<semaphore_mem>>) src(%dma_wait3A_192 : memref<100000x48xf32, #tpu.memory_space<hbm>>) dst(%dma_wait3A_187 : memref<128x48xf32, #tpu.memory_space<vmem>>)
    %dma_wait3A_193 = arith.constant 0 : i32
    %dma_wait3A_194 = arith.constant 0 : i32
    %dma_wait3A_195 = tpu.memref_slice %arg12[%dma_wait3A_193, %dma_wait3A_194] : memref<512x32xf32, #tpu.memory_space<vmem>> -> memref<128x32xf32, #tpu.memory_space<vmem>>
    %dma_wait3A_196 = arith.constant 0 : i32
    %dma_wait3A_197 = tpu.memref_slice %arg9[%dma_wait3A_196] : memref<512xi32, #tpu.memory_space<vmem>> -> memref<128xi32, #tpu.memory_space<vmem>>
    %dma_wait3A_198 = arith.constant 0 : i32
    %dma_wait3A_199 = arith.constant 0 : i32
    %dma_wait3A_200 = tpu.memref_slice %arg2[%dma_wait3A_198, %dma_wait3A_199] : memref<100000x32xf32, #tpu.memory_space<hbm>> -> memref<100000x32xf32, #tpu.memory_space<hbm>>
    tpu.wait_indirect_dma semaphore(%arg14 : memref<!tpu.dma_semaphore, #tpu.memory_space<semaphore_mem>>) src(%dma_wait3A_200 : memref<100000x32xf32, #tpu.memory_space<hbm>>) dst(%dma_wait3A_195 : memref<128x32xf32, #tpu.memory_space<vmem>>)
    %dma_wait3A_201 = arith.constant 128 : i32
    %dma_wait3A_202 = arith.constant 0 : i32
    %dma_wait3A_203 = tpu.memref_slice %arg12[%dma_wait3A_201, %dma_wait3A_202] : memref<512x32xf32, #tpu.memory_space<vmem>> -> memref<128x32xf32, #tpu.memory_space<vmem>>
    %dma_wait3A_204 = arith.constant 128 : i32
    %dma_wait3A_205 = tpu.memref_slice %arg9[%dma_wait3A_204] : memref<512xi32, #tpu.memory_space<vmem>> -> memref<128xi32, #tpu.memory_space<vmem>>
    %dma_wait3A_206 = arith.constant 0 : i32
    %dma_wait3A_207 = arith.constant 0 : i32
    %dma_wait3A_208 = tpu.memref_slice %arg2[%dma_wait3A_206, %dma_wait3A_207] : memref<100000x32xf32, #tpu.memory_space<hbm>> -> memref<100000x32xf32, #tpu.memory_space<hbm>>
    tpu.wait_indirect_dma semaphore(%arg14 : memref<!tpu.dma_semaphore, #tpu.memory_space<semaphore_mem>>) src(%dma_wait3A_208 : memref<100000x32xf32, #tpu.memory_space<hbm>>) dst(%dma_wait3A_203 : memref<128x32xf32, #tpu.memory_space<vmem>>)
    %dma_wait3A_209 = arith.constant 256 : i32
    %dma_wait3A_210 = arith.constant 0 : i32
    %dma_wait3A_211 = tpu.memref_slice %arg12[%dma_wait3A_209, %dma_wait3A_210] : memref<512x32xf32, #tpu.memory_space<vmem>> -> memref<128x32xf32, #tpu.memory_space<vmem>>
    %dma_wait3A_212 = arith.constant 256 : i32
    %dma_wait3A_213 = tpu.memref_slice %arg9[%dma_wait3A_212] : memref<512xi32, #tpu.memory_space<vmem>> -> memref<128xi32, #tpu.memory_space<vmem>>
    %dma_wait3A_214 = arith.constant 0 : i32
    %dma_wait3A_215 = arith.constant 0 : i32
    %dma_wait3A_216 = tpu.memref_slice %arg2[%dma_wait3A_214, %dma_wait3A_215] : memref<100000x32xf32, #tpu.memory_space<hbm>> -> memref<100000x32xf32, #tpu.memory_space<hbm>>
    tpu.wait_indirect_dma semaphore(%arg14 : memref<!tpu.dma_semaphore, #tpu.memory_space<semaphore_mem>>) src(%dma_wait3A_216 : memref<100000x32xf32, #tpu.memory_space<hbm>>) dst(%dma_wait3A_211 : memref<128x32xf32, #tpu.memory_space<vmem>>)
    %dma_wait3A_217 = arith.constant 384 : i32
    %dma_wait3A_218 = arith.constant 0 : i32
    %dma_wait3A_219 = tpu.memref_slice %arg12[%dma_wait3A_217, %dma_wait3A_218] : memref<512x32xf32, #tpu.memory_space<vmem>> -> memref<128x32xf32, #tpu.memory_space<vmem>>
    %dma_wait3A_220 = arith.constant 384 : i32
    %dma_wait3A_221 = tpu.memref_slice %arg9[%dma_wait3A_220] : memref<512xi32, #tpu.memory_space<vmem>> -> memref<128xi32, #tpu.memory_space<vmem>>
    %dma_wait3A_222 = arith.constant 0 : i32
    %dma_wait3A_223 = arith.constant 0 : i32
    %dma_wait3A_224 = tpu.memref_slice %arg2[%dma_wait3A_222, %dma_wait3A_223] : memref<100000x32xf32, #tpu.memory_space<hbm>> -> memref<100000x32xf32, #tpu.memory_space<hbm>>
    tpu.wait_indirect_dma semaphore(%arg14 : memref<!tpu.dma_semaphore, #tpu.memory_space<semaphore_mem>>) src(%dma_wait3A_224 : memref<100000x32xf32, #tpu.memory_space<hbm>>) dst(%dma_wait3A_219 : memref<128x32xf32, #tpu.memory_space<vmem>>)
    %dma_wait3A_225 = arith.constant 0 : i32
    %dma_wait3A_226 = arith.constant 0 : i32
    %dma_wait3A_227 = tpu.memref_slice %arg13[%dma_wait3A_225, %dma_wait3A_226] : memref<512x48xf32, #tpu.memory_space<vmem>> -> memref<128x48xf32, #tpu.memory_space<vmem>>
    %dma_wait3A_228 = arith.constant 0 : i32
    %dma_wait3A_229 = tpu.memref_slice %arg9[%dma_wait3A_228] : memref<512xi32, #tpu.memory_space<vmem>> -> memref<128xi32, #tpu.memory_space<vmem>>
    %dma_wait3A_230 = arith.constant 0 : i32
    %dma_wait3A_231 = arith.constant 0 : i32
    %dma_wait3A_232 = tpu.memref_slice %arg3[%dma_wait3A_230, %dma_wait3A_231] : memref<100000x48xf32, #tpu.memory_space<hbm>> -> memref<100000x48xf32, #tpu.memory_space<hbm>>
    tpu.wait_indirect_dma semaphore(%arg14 : memref<!tpu.dma_semaphore, #tpu.memory_space<semaphore_mem>>) src(%dma_wait3A_232 : memref<100000x48xf32, #tpu.memory_space<hbm>>) dst(%dma_wait3A_227 : memref<128x48xf32, #tpu.memory_space<vmem>>)
    %dma_wait3A_233 = arith.constant 128 : i32
    %dma_wait3A_234 = arith.constant 0 : i32
    %dma_wait3A_235 = tpu.memref_slice %arg13[%dma_wait3A_233, %dma_wait3A_234] : memref<512x48xf32, #tpu.memory_space<vmem>> -> memref<128x48xf32, #tpu.memory_space<vmem>>
    %dma_wait3A_236 = arith.constant 128 : i32
    %dma_wait3A_237 = tpu.memref_slice %arg9[%dma_wait3A_236] : memref<512xi32, #tpu.memory_space<vmem>> -> memref<128xi32, #tpu.memory_space<vmem>>
    %dma_wait3A_238 = arith.constant 0 : i32
    %dma_wait3A_239 = arith.constant 0 : i32
    %dma_wait3A_240 = tpu.memref_slice %arg3[%dma_wait3A_238, %dma_wait3A_239] : memref<100000x48xf32, #tpu.memory_space<hbm>> -> memref<100000x48xf32, #tpu.memory_space<hbm>>
    tpu.wait_indirect_dma semaphore(%arg14 : memref<!tpu.dma_semaphore, #tpu.memory_space<semaphore_mem>>) src(%dma_wait3A_240 : memref<100000x48xf32, #tpu.memory_space<hbm>>) dst(%dma_wait3A_235 : memref<128x48xf32, #tpu.memory_space<vmem>>)
    %dma_wait3A_241 = arith.constant 256 : i32
    %dma_wait3A_242 = arith.constant 0 : i32
    %dma_wait3A_243 = tpu.memref_slice %arg13[%dma_wait3A_241, %dma_wait3A_242] : memref<512x48xf32, #tpu.memory_space<vmem>> -> memref<128x48xf32, #tpu.memory_space<vmem>>
    %dma_wait3A_244 = arith.constant 256 : i32
    %dma_wait3A_245 = tpu.memref_slice %arg9[%dma_wait3A_244] : memref<512xi32, #tpu.memory_space<vmem>> -> memref<128xi32, #tpu.memory_space<vmem>>
    %dma_wait3A_246 = arith.constant 0 : i32
    %dma_wait3A_247 = arith.constant 0 : i32
    %dma_wait3A_248 = tpu.memref_slice %arg3[%dma_wait3A_246, %dma_wait3A_247] : memref<100000x48xf32, #tpu.memory_space<hbm>> -> memref<100000x48xf32, #tpu.memory_space<hbm>>
    tpu.wait_indirect_dma semaphore(%arg14 : memref<!tpu.dma_semaphore, #tpu.memory_space<semaphore_mem>>) src(%dma_wait3A_248 : memref<100000x48xf32, #tpu.memory_space<hbm>>) dst(%dma_wait3A_243 : memref<128x48xf32, #tpu.memory_space<vmem>>)
    %dma_wait3A_249 = arith.constant 384 : i32
    %dma_wait3A_250 = arith.constant 0 : i32
    %dma_wait3A_251 = tpu.memref_slice %arg13[%dma_wait3A_249, %dma_wait3A_250] : memref<512x48xf32, #tpu.memory_space<vmem>> -> memref<128x48xf32, #tpu.memory_space<vmem>>
    %dma_wait3A_252 = arith.constant 384 : i32
    %dma_wait3A_253 = tpu.memref_slice %arg9[%dma_wait3A_252] : memref<512xi32, #tpu.memory_space<vmem>> -> memref<128xi32, #tpu.memory_space<vmem>>
    %dma_wait3A_254 = arith.constant 0 : i32
    %dma_wait3A_255 = arith.constant 0 : i32
    %dma_wait3A_256 = tpu.memref_slice %arg3[%dma_wait3A_254, %dma_wait3A_255] : memref<100000x48xf32, #tpu.memory_space<hbm>> -> memref<100000x48xf32, #tpu.memory_space<hbm>>
    tpu.wait_indirect_dma semaphore(%arg14 : memref<!tpu.dma_semaphore, #tpu.memory_space<semaphore_mem>>) src(%dma_wait3A_256 : memref<100000x48xf32, #tpu.memory_space<hbm>>) dst(%dma_wait3A_251 : memref<128x48xf32, #tpu.memory_space<vmem>>)
    "tpu.region"() ({
      %run_scoped3A = tpu.sem_alloc : memref<!tpu.dma_semaphore, #tpu.memory_space<semaphore_mem>>
      %dma_start3A_257 = arith.constant 0 : i32
      %dma_start3A_258 = tpu.memref_slice %arg6[%mul3A_2, %dma_start3A_257] : memref<16384x128xf32, #tpu.memory_space<hbm>> -> memref<512x32xf32, #tpu.memory_space<hbm>>
      %dma_start3A_259 = arith.constant 0 : i32
      %dma_start3A_260 = tpu.memref_slice %arg6[%mul3A_2, %dma_start3A_259] : memref<16384x128xf32, #tpu.memory_space<hbm>> -> memref<512x32xf32, #tpu.memory_space<hbm>>
      tpu.enqueue_dma source(%arg10 : memref<512x32xf32, #tpu.memory_space<vmem>>) target(%dma_start3A_260 : memref<512x32xf32, #tpu.memory_space<hbm>>) target_semaphore(%run_scoped3A : memref<!tpu.dma_semaphore, #tpu.memory_space<semaphore_mem>>)
      %dma_wait3A_261 = arith.constant 0 : i32
      %dma_wait3A_262 = tpu.memref_slice %arg6[%mul3A_2, %dma_wait3A_261] : memref<16384x128xf32, #tpu.memory_space<hbm>> -> memref<512x32xf32, #tpu.memory_space<hbm>>
      %dma_wait3A_263 = arith.constant 0 : i32
      %dma_wait3A_264 = tpu.memref_slice %arg6[%mul3A_2, %dma_wait3A_263] : memref<16384x128xf32, #tpu.memory_space<hbm>> -> memref<512x32xf32, #tpu.memory_space<hbm>>
      tpu.wait_dma2 semaphore(%run_scoped3A : memref<!tpu.dma_semaphore, #tpu.memory_space<semaphore_mem>>) src(%arg10 : memref<512x32xf32, #tpu.memory_space<vmem>>) dst(%dma_wait3A_264 : memref<512x32xf32, #tpu.memory_space<hbm>>)
      tpu.yield
    }) : () -> ()
    "tpu.region"() ({
      %run_scoped3A = tpu.sem_alloc : memref<!tpu.dma_semaphore, #tpu.memory_space<semaphore_mem>>
      %dma_start3A_257 = arith.constant 32 : i32
      %dma_start3A_258 = tpu.memref_slice %arg6[%mul3A_2, %dma_start3A_257] : memref<16384x128xf32, #tpu.memory_space<hbm>> -> memref<512x48xf32, #tpu.memory_space<hbm>>
      %dma_start3A_259 = arith.constant 32 : i32
      %dma_start3A_260 = tpu.memref_slice %arg6[%mul3A_2, %dma_start3A_259] : memref<16384x128xf32, #tpu.memory_space<hbm>> -> memref<512x48xf32, #tpu.memory_space<hbm>>
      tpu.enqueue_dma source(%arg11 : memref<512x48xf32, #tpu.memory_space<vmem>>) target(%dma_start3A_260 : memref<512x48xf32, #tpu.memory_space<hbm>>) target_semaphore(%run_scoped3A : memref<!tpu.dma_semaphore, #tpu.memory_space<semaphore_mem>>)
      %dma_wait3A_261 = arith.constant 32 : i32
      %dma_wait3A_262 = tpu.memref_slice %arg6[%mul3A_2, %dma_wait3A_261] : memref<16384x128xf32, #tpu.memory_space<hbm>> -> memref<512x48xf32, #tpu.memory_space<hbm>>
      %dma_wait3A_263 = arith.constant 32 : i32
      %dma_wait3A_264 = tpu.memref_slice %arg6[%mul3A_2, %dma_wait3A_263] : memref<16384x128xf32, #tpu.memory_space<hbm>> -> memref<512x48xf32, #tpu.memory_space<hbm>>
      tpu.wait_dma2 semaphore(%run_scoped3A : memref<!tpu.dma_semaphore, #tpu.memory_space<semaphore_mem>>) src(%arg11 : memref<512x48xf32, #tpu.memory_space<vmem>>) dst(%dma_wait3A_264 : memref<512x48xf32, #tpu.memory_space<hbm>>)
      tpu.yield
    }) : () -> ()
    "tpu.region"() ({
      %run_scoped3A = tpu.sem_alloc : memref<!tpu.dma_semaphore, #tpu.memory_space<semaphore_mem>>
      %dma_start3A_257 = arith.constant 0 : i32
      %dma_start3A_258 = tpu.memref_slice %arg7[%mul3A_2, %dma_start3A_257] : memref<16384x128xf32, #tpu.memory_space<hbm>> -> memref<512x32xf32, #tpu.memory_space<hbm>>
      %dma_start3A_259 = arith.constant 0 : i32
      %dma_start3A_260 = tpu.memref_slice %arg7[%mul3A_2, %dma_start3A_259] : memref<16384x128xf32, #tpu.memory_space<hbm>> -> memref<512x32xf32, #tpu.memory_space<hbm>>
      tpu.enqueue_dma source(%arg12 : memref<512x32xf32, #tpu.memory_space<vmem>>) target(%dma_start3A_260 : memref<512x32xf32, #tpu.memory_space<hbm>>) target_semaphore(%run_scoped3A : memref<!tpu.dma_semaphore, #tpu.memory_space<semaphore_mem>>)
      %dma_wait3A_261 = arith.constant 0 : i32
      %dma_wait3A_262 = tpu.memref_slice %arg7[%mul3A_2, %dma_wait3A_261] : memref<16384x128xf32, #tpu.memory_space<hbm>> -> memref<512x32xf32, #tpu.memory_space<hbm>>
      %dma_wait3A_263 = arith.constant 0 : i32
      %dma_wait3A_264 = tpu.memref_slice %arg7[%mul3A_2, %dma_wait3A_263] : memref<16384x128xf32, #tpu.memory_space<hbm>> -> memref<512x32xf32, #tpu.memory_space<hbm>>
      tpu.wait_dma2 semaphore(%run_scoped3A : memref<!tpu.dma_semaphore, #tpu.memory_space<semaphore_mem>>) src(%arg12 : memref<512x32xf32, #tpu.memory_space<vmem>>) dst(%dma_wait3A_264 : memref<512x32xf32, #tpu.memory_space<hbm>>)
      tpu.yield
    }) : () -> ()
    "tpu.region"() ({
      %run_scoped3A = tpu.sem_alloc : memref<!tpu.dma_semaphore, #tpu.memory_space<semaphore_mem>>
      %dma_start3A_257 = arith.constant 32 : i32
      %dma_start3A_258 = tpu.memref_slice %arg7[%mul3A_2, %dma_start3A_257] : memref<16384x128xf32, #tpu.memory_space<hbm>> -> memref<512x48xf32, #tpu.memory_space<hbm>>
      %dma_start3A_259 = arith.constant 32 : i32
      %dma_start3A_260 = tpu.memref_slice %arg7[%mul3A_2, %dma_start3A_259] : memref<16384x128xf32, #tpu.memory_space<hbm>> -> memref<512x48xf32, #tpu.memory_space<hbm>>
      tpu.enqueue_dma source(%arg13 : memref<512x48xf32, #tpu.memory_space<vmem>>) target(%dma_start3A_260 : memref<512x48xf32, #tpu.memory_space<hbm>>) target_semaphore(%run_scoped3A : memref<!tpu.dma_semaphore, #tpu.memory_space<semaphore_mem>>)
      %dma_wait3A_261 = arith.constant 32 : i32
      %dma_wait3A_262 = tpu.memref_slice %arg7[%mul3A_2, %dma_wait3A_261] : memref<16384x128xf32, #tpu.memory_space<hbm>> -> memref<512x48xf32, #tpu.memory_space<hbm>>
      %dma_wait3A_263 = arith.constant 32 : i32
      %dma_wait3A_264 = tpu.memref_slice %arg7[%mul3A_2, %dma_wait3A_263] : memref<16384x128xf32, #tpu.memory_space<hbm>> -> memref<512x48xf32, #tpu.memory_space<hbm>>
      tpu.wait_dma2 semaphore(%run_scoped3A : memref<!tpu.dma_semaphore, #tpu.memory_space<semaphore_mem>>) src(%arg13 : memref<512x48xf32, #tpu.memory_space<vmem>>) dst(%dma_wait3A_264 : memref<512x48xf32, #tpu.memory_space<hbm>>)
      tpu.yield
    }) : () -> ()
    return
  }
}

module attributes {stable_mosaic.version = 14 : i64} {
  func.func @_tc_body(%arg0: i32, %arg1: memref<4096x128xf32, #tpu.memory_space<vmem>>, %arg2: memref<4096x128xf32, #tpu.memory_space<vmem>>, %arg3: memref<4096xf32, #tpu.memory_space<vmem>>) attributes {dimension_semantics = [#tpu.dimension_semantics<arbitrary>], iteration_bounds = array<i64: 4>, scalar_prefetch = 0 : i64, scratch_operands = 0 : i64, tpu.core_type = #tpu.core_type<tc>, window_params = [{transform_indices = @transform_0, window_bounds = array<i64: 4096, 128>}, {transform_indices = @transform_1, window_bounds = array<i64: 4096, 128>}, {transform_indices = @transform_2, window_bounds = array<i64: 4096>}]} {
    %get3A = arith.constant 0 : index
    %get3A_0 = arith.constant 0 : index
    %get3A_1 = vector.load %arg1[%get3A, %get3A_0] : memref<4096x128xf32, #tpu.memory_space<vmem>>, vector<4096x128xf32>
    %transpose3A = tpu.transpose %get3A_1, [1, 0] : vector<4096x128xf32> -> vector<128x4096xf32>
    %slice3A = vector.extract_strided_slice %transpose3A {offsets = [0, 0], sizes = [16, 4096], strides = [1, 1]} : vector<128x4096xf32> to vector<16x4096xf32>
    %slice3A_2 = vector.extract_strided_slice %transpose3A {offsets = [16, 0], sizes = [16, 4096], strides = [1, 1]} : vector<128x4096xf32> to vector<16x4096xf32>
    %slice3A_3 = vector.extract_strided_slice %transpose3A {offsets = [32, 0], sizes = [16, 4096], strides = [1, 1]} : vector<128x4096xf32> to vector<16x4096xf32>
    %slice3A_4 = vector.extract_strided_slice %transpose3A {offsets = [48, 0], sizes = [16, 4096], strides = [1, 1]} : vector<128x4096xf32> to vector<16x4096xf32>
    %slice3A_5 = vector.extract_strided_slice %transpose3A {offsets = [64, 0], sizes = [8, 4096], strides = [1, 1]} : vector<128x4096xf32> to vector<8x4096xf32>
    %slice3A_6 = vector.extract_strided_slice %transpose3A {offsets = [72, 0], sizes = [4, 4096], strides = [1, 1]} : vector<128x4096xf32> to vector<4x4096xf32>
    %slice3A_7 = vector.extract_strided_slice %transpose3A {offsets = [76, 0], sizes = [1, 4096], strides = [1, 1]} : vector<128x4096xf32> to vector<1x4096xf32>
    %get3A_8 = arith.constant 0 : index
    %get3A_9 = arith.constant 0 : index
    %get3A_10 = vector.load %arg2[%get3A_8, %get3A_9] : memref<4096x128xf32, #tpu.memory_space<vmem>>, vector<4096x128xf32>
    %transpose3A_11 = tpu.transpose %get3A_10, [1, 0] : vector<4096x128xf32> -> vector<128x4096xf32>
    %slice3A_12 = vector.extract_strided_slice %transpose3A_11 {offsets = [0, 0], sizes = [16, 4096], strides = [1, 1]} : vector<128x4096xf32> to vector<16x4096xf32>
    %slice3A_13 = vector.extract_strided_slice %transpose3A_11 {offsets = [16, 0], sizes = [16, 4096], strides = [1, 1]} : vector<128x4096xf32> to vector<16x4096xf32>
    %slice3A_14 = vector.extract_strided_slice %transpose3A_11 {offsets = [32, 0], sizes = [16, 4096], strides = [1, 1]} : vector<128x4096xf32> to vector<16x4096xf32>
    %slice3A_15 = vector.extract_strided_slice %transpose3A_11 {offsets = [48, 0], sizes = [16, 4096], strides = [1, 1]} : vector<128x4096xf32> to vector<16x4096xf32>
    %slice3A_16 = vector.extract_strided_slice %transpose3A_11 {offsets = [64, 0], sizes = [8, 4096], strides = [1, 1]} : vector<128x4096xf32> to vector<8x4096xf32>
    %slice3A_17 = vector.extract_strided_slice %transpose3A_11 {offsets = [72, 0], sizes = [4, 4096], strides = [1, 1]} : vector<128x4096xf32> to vector<4x4096xf32>
    %slice3A_18 = vector.extract_strided_slice %transpose3A_11 {offsets = [76, 0], sizes = [1, 4096], strides = [1, 1]} : vector<128x4096xf32> to vector<1x4096xf32>
    %broadcast_in_dim3A = arith.constant 0.000000e+00 : f32
    %broadcast_in_dim3A_19 = vector.broadcast %broadcast_in_dim3A : f32 to vector<16x4096xf32>
    %slice3A_20 = vector.extract_strided_slice %slice3A_16 {offsets = [0, 0], sizes = [1, 4096], strides = [1, 1]} : vector<8x4096xf32> to vector<1x4096xf32>
    %mul3A = vector.broadcast %slice3A_20 : vector<1x4096xf32> to vector<16x4096xf32>
    %mul3A_21 = arith.mulf %slice3A, %mul3A : vector<16x4096xf32>
    %slice3A_22 = vector.extract_strided_slice %slice3A_16 {offsets = [1, 0], sizes = [1, 4096], strides = [1, 1]} : vector<8x4096xf32> to vector<1x4096xf32>
    %mul3A_23 = vector.broadcast %slice3A_22 : vector<1x4096xf32> to vector<16x4096xf32>
    %mul3A_24 = arith.mulf %slice3A_2, %mul3A_23 : vector<16x4096xf32>
    %add3A = arith.addf %mul3A_21, %mul3A_24 : vector<16x4096xf32>
    %add3A_25 = arith.addf %add3A, %slice3A_3 : vector<16x4096xf32>
    %slice3A_26 = vector.extract_strided_slice %slice3A_17 {offsets = [0, 0], sizes = [1, 4096], strides = [1, 1]} : vector<4x4096xf32> to vector<1x4096xf32>
    %tanh3A = math.tanh %add3A_25 : vector<16x4096xf32>
    %mul3A_27 = vector.broadcast %slice3A_26 : vector<1x4096xf32> to vector<16x4096xf32>
    %mul3A_28 = arith.mulf %mul3A_27, %tanh3A : vector<16x4096xf32>
    %add3A_29 = arith.addf %broadcast_in_dim3A_19, %mul3A_28 : vector<16x4096xf32>
    %slice3A_30 = vector.extract_strided_slice %slice3A_16 {offsets = [2, 0], sizes = [1, 4096], strides = [1, 1]} : vector<8x4096xf32> to vector<1x4096xf32>
    %mul3A_31 = vector.broadcast %slice3A_30 : vector<1x4096xf32> to vector<16x4096xf32>
    %mul3A_32 = arith.mulf %slice3A, %mul3A_31 : vector<16x4096xf32>
    %slice3A_33 = vector.extract_strided_slice %slice3A_16 {offsets = [3, 0], sizes = [1, 4096], strides = [1, 1]} : vector<8x4096xf32> to vector<1x4096xf32>
    %mul3A_34 = vector.broadcast %slice3A_33 : vector<1x4096xf32> to vector<16x4096xf32>
    %mul3A_35 = arith.mulf %slice3A_2, %mul3A_34 : vector<16x4096xf32>
    %add3A_36 = arith.addf %mul3A_32, %mul3A_35 : vector<16x4096xf32>
    %add3A_37 = arith.addf %add3A_36, %slice3A_3 : vector<16x4096xf32>
    %slice3A_38 = vector.extract_strided_slice %slice3A_17 {offsets = [1, 0], sizes = [1, 4096], strides = [1, 1]} : vector<4x4096xf32> to vector<1x4096xf32>
    %tanh3A_39 = math.tanh %add3A_37 : vector<16x4096xf32>
    %mul3A_40 = vector.broadcast %slice3A_38 : vector<1x4096xf32> to vector<16x4096xf32>
    %mul3A_41 = arith.mulf %mul3A_40, %tanh3A_39 : vector<16x4096xf32>
    %add3A_42 = arith.addf %add3A_29, %mul3A_41 : vector<16x4096xf32>
    %slice3A_43 = vector.extract_strided_slice %slice3A_16 {offsets = [4, 0], sizes = [1, 4096], strides = [1, 1]} : vector<8x4096xf32> to vector<1x4096xf32>
    %mul3A_44 = vector.broadcast %slice3A_43 : vector<1x4096xf32> to vector<16x4096xf32>
    %mul3A_45 = arith.mulf %slice3A, %mul3A_44 : vector<16x4096xf32>
    %slice3A_46 = vector.extract_strided_slice %slice3A_16 {offsets = [5, 0], sizes = [1, 4096], strides = [1, 1]} : vector<8x4096xf32> to vector<1x4096xf32>
    %mul3A_47 = vector.broadcast %slice3A_46 : vector<1x4096xf32> to vector<16x4096xf32>
    %mul3A_48 = arith.mulf %slice3A_2, %mul3A_47 : vector<16x4096xf32>
    %add3A_49 = arith.addf %mul3A_45, %mul3A_48 : vector<16x4096xf32>
    %add3A_50 = arith.addf %add3A_49, %slice3A_3 : vector<16x4096xf32>
    %slice3A_51 = vector.extract_strided_slice %slice3A_17 {offsets = [2, 0], sizes = [1, 4096], strides = [1, 1]} : vector<4x4096xf32> to vector<1x4096xf32>
    %tanh3A_52 = math.tanh %add3A_50 : vector<16x4096xf32>
    %mul3A_53 = vector.broadcast %slice3A_51 : vector<1x4096xf32> to vector<16x4096xf32>
    %mul3A_54 = arith.mulf %mul3A_53, %tanh3A_52 : vector<16x4096xf32>
    %add3A_55 = arith.addf %add3A_42, %mul3A_54 : vector<16x4096xf32>
    %slice3A_56 = vector.extract_strided_slice %slice3A_16 {offsets = [6, 0], sizes = [1, 4096], strides = [1, 1]} : vector<8x4096xf32> to vector<1x4096xf32>
    %mul3A_57 = vector.broadcast %slice3A_56 : vector<1x4096xf32> to vector<16x4096xf32>
    %mul3A_58 = arith.mulf %slice3A, %mul3A_57 : vector<16x4096xf32>
    %slice3A_59 = vector.extract_strided_slice %slice3A_16 {offsets = [7, 0], sizes = [1, 4096], strides = [1, 1]} : vector<8x4096xf32> to vector<1x4096xf32>
    %mul3A_60 = vector.broadcast %slice3A_59 : vector<1x4096xf32> to vector<16x4096xf32>
    %mul3A_61 = arith.mulf %slice3A_2, %mul3A_60 : vector<16x4096xf32>
    %add3A_62 = arith.addf %mul3A_58, %mul3A_61 : vector<16x4096xf32>
    %add3A_63 = arith.addf %add3A_62, %slice3A_3 : vector<16x4096xf32>
    %slice3A_64 = vector.extract_strided_slice %slice3A_17 {offsets = [3, 0], sizes = [1, 4096], strides = [1, 1]} : vector<4x4096xf32> to vector<1x4096xf32>
    %tanh3A_65 = math.tanh %add3A_63 : vector<16x4096xf32>
    %mul3A_66 = vector.broadcast %slice3A_64 : vector<1x4096xf32> to vector<16x4096xf32>
    %mul3A_67 = arith.mulf %mul3A_66, %tanh3A_65 : vector<16x4096xf32>
    %add3A_68 = arith.addf %add3A_55, %mul3A_67 : vector<16x4096xf32>
    %mul3A_69 = arith.mulf %add3A_68, %slice3A_4 : vector<16x4096xf32>
    %reduce_sum3A = arith.constant dense<0.000000e+00> : vector<4096xf32>
    %reduce_sum3A_70 = vector.multi_reduction <add>, %mul3A_69, %reduce_sum3A [0] : vector<16x4096xf32> to vector<4096xf32>
    %squeeze3A = vector.shape_cast %slice3A_7 : vector<1x4096xf32> to vector<4096xf32>
    %reduce_sum3A_71 = arith.constant dense<0.000000e+00> : vector<4096xf32>
    %reduce_sum3A_72 = vector.multi_reduction <add>, %slice3A_17, %reduce_sum3A_71 [0] : vector<4x4096xf32> to vector<4096xf32>
    %mul3A_73 = arith.mulf %squeeze3A, %reduce_sum3A_72 : vector<4096xf32>
    %add3A_74 = arith.addf %reduce_sum3A_70, %mul3A_73 : vector<4096xf32>
    %broadcast_in_dim3A_75 = arith.constant 0.000000e+00 : f32
    %broadcast_in_dim3A_76 = vector.broadcast %broadcast_in_dim3A_75 : f32 to vector<16x4096xf32>
    %slice3A_77 = vector.extract_strided_slice %slice3A_5 {offsets = [0, 0], sizes = [1, 4096], strides = [1, 1]} : vector<8x4096xf32> to vector<1x4096xf32>
    %mul3A_78 = vector.broadcast %slice3A_77 : vector<1x4096xf32> to vector<16x4096xf32>
    %mul3A_79 = arith.mulf %slice3A_12, %mul3A_78 : vector<16x4096xf32>
    %slice3A_80 = vector.extract_strided_slice %slice3A_5 {offsets = [1, 0], sizes = [1, 4096], strides = [1, 1]} : vector<8x4096xf32> to vector<1x4096xf32>
    %mul3A_81 = vector.broadcast %slice3A_80 : vector<1x4096xf32> to vector<16x4096xf32>
    %mul3A_82 = arith.mulf %slice3A_13, %mul3A_81 : vector<16x4096xf32>
    %add3A_83 = arith.addf %mul3A_79, %mul3A_82 : vector<16x4096xf32>
    %add3A_84 = arith.addf %add3A_83, %slice3A_14 : vector<16x4096xf32>
    %slice3A_85 = vector.extract_strided_slice %slice3A_6 {offsets = [0, 0], sizes = [1, 4096], strides = [1, 1]} : vector<4x4096xf32> to vector<1x4096xf32>
    %tanh3A_86 = math.tanh %add3A_84 : vector<16x4096xf32>
    %mul3A_87 = vector.broadcast %slice3A_85 : vector<1x4096xf32> to vector<16x4096xf32>
    %mul3A_88 = arith.mulf %mul3A_87, %tanh3A_86 : vector<16x4096xf32>
    %add3A_89 = arith.addf %broadcast_in_dim3A_76, %mul3A_88 : vector<16x4096xf32>
    %slice3A_90 = vector.extract_strided_slice %slice3A_5 {offsets = [2, 0], sizes = [1, 4096], strides = [1, 1]} : vector<8x4096xf32> to vector<1x4096xf32>
    %mul3A_91 = vector.broadcast %slice3A_90 : vector<1x4096xf32> to vector<16x4096xf32>
    %mul3A_92 = arith.mulf %slice3A_12, %mul3A_91 : vector<16x4096xf32>
    %slice3A_93 = vector.extract_strided_slice %slice3A_5 {offsets = [3, 0], sizes = [1, 4096], strides = [1, 1]} : vector<8x4096xf32> to vector<1x4096xf32>
    %mul3A_94 = vector.broadcast %slice3A_93 : vector<1x4096xf32> to vector<16x4096xf32>
    %mul3A_95 = arith.mulf %slice3A_13, %mul3A_94 : vector<16x4096xf32>
    %add3A_96 = arith.addf %mul3A_92, %mul3A_95 : vector<16x4096xf32>
    %add3A_97 = arith.addf %add3A_96, %slice3A_14 : vector<16x4096xf32>
    %slice3A_98 = vector.extract_strided_slice %slice3A_6 {offsets = [1, 0], sizes = [1, 4096], strides = [1, 1]} : vector<4x4096xf32> to vector<1x4096xf32>
    %tanh3A_99 = math.tanh %add3A_97 : vector<16x4096xf32>
    %mul3A_100 = vector.broadcast %slice3A_98 : vector<1x4096xf32> to vector<16x4096xf32>
    %mul3A_101 = arith.mulf %mul3A_100, %tanh3A_99 : vector<16x4096xf32>
    %add3A_102 = arith.addf %add3A_89, %mul3A_101 : vector<16x4096xf32>
    %slice3A_103 = vector.extract_strided_slice %slice3A_5 {offsets = [4, 0], sizes = [1, 4096], strides = [1, 1]} : vector<8x4096xf32> to vector<1x4096xf32>
    %mul3A_104 = vector.broadcast %slice3A_103 : vector<1x4096xf32> to vector<16x4096xf32>
    %mul3A_105 = arith.mulf %slice3A_12, %mul3A_104 : vector<16x4096xf32>
    %slice3A_106 = vector.extract_strided_slice %slice3A_5 {offsets = [5, 0], sizes = [1, 4096], strides = [1, 1]} : vector<8x4096xf32> to vector<1x4096xf32>
    %mul3A_107 = vector.broadcast %slice3A_106 : vector<1x4096xf32> to vector<16x4096xf32>
    %mul3A_108 = arith.mulf %slice3A_13, %mul3A_107 : vector<16x4096xf32>
    %add3A_109 = arith.addf %mul3A_105, %mul3A_108 : vector<16x4096xf32>
    %add3A_110 = arith.addf %add3A_109, %slice3A_14 : vector<16x4096xf32>
    %slice3A_111 = vector.extract_strided_slice %slice3A_6 {offsets = [2, 0], sizes = [1, 4096], strides = [1, 1]} : vector<4x4096xf32> to vector<1x4096xf32>
    %tanh3A_112 = math.tanh %add3A_110 : vector<16x4096xf32>
    %mul3A_113 = vector.broadcast %slice3A_111 : vector<1x4096xf32> to vector<16x4096xf32>
    %mul3A_114 = arith.mulf %mul3A_113, %tanh3A_112 : vector<16x4096xf32>
    %add3A_115 = arith.addf %add3A_102, %mul3A_114 : vector<16x4096xf32>
    %slice3A_116 = vector.extract_strided_slice %slice3A_5 {offsets = [6, 0], sizes = [1, 4096], strides = [1, 1]} : vector<8x4096xf32> to vector<1x4096xf32>
    %mul3A_117 = vector.broadcast %slice3A_116 : vector<1x4096xf32> to vector<16x4096xf32>
    %mul3A_118 = arith.mulf %slice3A_12, %mul3A_117 : vector<16x4096xf32>
    %slice3A_119 = vector.extract_strided_slice %slice3A_5 {offsets = [7, 0], sizes = [1, 4096], strides = [1, 1]} : vector<8x4096xf32> to vector<1x4096xf32>
    %mul3A_120 = vector.broadcast %slice3A_119 : vector<1x4096xf32> to vector<16x4096xf32>
    %mul3A_121 = arith.mulf %slice3A_13, %mul3A_120 : vector<16x4096xf32>
    %add3A_122 = arith.addf %mul3A_118, %mul3A_121 : vector<16x4096xf32>
    %add3A_123 = arith.addf %add3A_122, %slice3A_14 : vector<16x4096xf32>
    %slice3A_124 = vector.extract_strided_slice %slice3A_6 {offsets = [3, 0], sizes = [1, 4096], strides = [1, 1]} : vector<4x4096xf32> to vector<1x4096xf32>
    %tanh3A_125 = math.tanh %add3A_123 : vector<16x4096xf32>
    %mul3A_126 = vector.broadcast %slice3A_124 : vector<1x4096xf32> to vector<16x4096xf32>
    %mul3A_127 = arith.mulf %mul3A_126, %tanh3A_125 : vector<16x4096xf32>
    %add3A_128 = arith.addf %add3A_115, %mul3A_127 : vector<16x4096xf32>
    %mul3A_129 = arith.mulf %add3A_128, %slice3A_15 : vector<16x4096xf32>
    %reduce_sum3A_130 = arith.constant dense<0.000000e+00> : vector<4096xf32>
    %reduce_sum3A_131 = vector.multi_reduction <add>, %mul3A_129, %reduce_sum3A_130 [0] : vector<16x4096xf32> to vector<4096xf32>
    %squeeze3A_132 = vector.shape_cast %slice3A_18 : vector<1x4096xf32> to vector<4096xf32>
    %reduce_sum3A_133 = arith.constant dense<0.000000e+00> : vector<4096xf32>
    %reduce_sum3A_134 = vector.multi_reduction <add>, %slice3A_6, %reduce_sum3A_133 [0] : vector<4x4096xf32> to vector<4096xf32>
    %mul3A_135 = arith.mulf %squeeze3A_132, %reduce_sum3A_134 : vector<4096xf32>
    %add3A_136 = arith.addf %reduce_sum3A_131, %mul3A_135 : vector<4096xf32>
    %add3A_137 = arith.addf %add3A_74, %add3A_136 : vector<4096xf32>
    %swap3A = arith.constant 0 : index
    %swap3A_138 = vector.load %arg3[%swap3A] : memref<4096xf32, #tpu.memory_space<vmem>>, vector<4096xf32>
    tpu.vector_store %arg3[%swap3A], %add3A_137 {strides = array<i32>} : memref<4096xf32, #tpu.memory_space<vmem>>, vector<4096xf32>,
    return
  }
  func.func @transform_0(%arg0: i32) -> (i32, i32) {
    %c0_i32 = arith.constant 0 : i32
    %c0_i32_0 = arith.constant 0 : i32
    return %arg0, %c0_i32 : i32, i32
  }
  func.func @transform_1(%arg0: i32) -> (i32, i32) {
    %c0_i32 = arith.constant 0 : i32
    %c0_i32_0 = arith.constant 0 : i32
    return %arg0, %c0_i32 : i32, i32
  }
  func.func @transform_2(%arg0: i32) -> i32 {
    %c0_i32 = arith.constant 0 : i32
    return %arg0 : i32
  }
}

</mosaic_0001>

<sc_bundles>
// kernel: kernel.4.cloned.1.call-start
scs
__scs_entry_jumppad:
0x0: {  	(pc) =	sbr.rel $0x88, $3  }
0x1: {  	(tag) =	ssettag $0x0;
	lr =	simm.s32 $0x1  }
0x2: {  	[smem:$0x3F9A] =	sst lr;
	_ =	strace $0xD0000000  }
0x3: {  	_ = 	snop  }
0x4: {  	_ = 	snop  }
0x5: {  	_ = 	snop  }
0x6: {  	_ = 	snop  }
0x7: {  	_ = 	snop  }
__scs_overlays_trampoline_lowered:
0x8: {  	[smem:$0x3FA9] =	sst s0  }
0x9: {  	[smem:$0x3FAA] =	sst s1  }
0xa: {  	[smem:$0x3FAB] =	sst s2  }
0xb: {  	[smem:$0x3FAC] =	sst s3  }
0xc: {  	[smem:$0x3FAD] =	sst s4  }
0xd: {  	[smem:$0x3FAE] =	sst s5  }
0xe: {  	[smem:$0x3FAF] =	sst s6  }
0xf: {  	[smem:$0x3FB0] =	sst s7  }
0x10: {  	[smem:$0x3FB1] =	sst s8  }
0x11: {  	[smem:$0x3FB2] =	sst s9;
	s0 =	simm.s32 @!p0 $0x0  }
0x12: {  	s1 =	sld [smem:$0x3F98];
	s0 =	simm.s32 @p0 $0x1  }
0x13: {  	[smem:$0x3FB3] =	sst s0;
	s0 =	simm.s32 @!p1 $0x0  }
0x14: {  	s2 =	sld [smem:$0x3F97];
	s0 =	simm.s32 @p1 $0x1  }
0x15: {  	[smem:$0x3FB4] =	sst s0;
	s0 =	simm.s32 @!p2 $0x0  }
0x16: {  	s3 =	sld [smem:$0x3FDB];
	s0 =	simm.s32 @p2 $0x1  }
0x17: {  	s4 =	simm.s32 $0x1BF5;
	[smem:$0x3FB6] =	sst s0  }
0x18: {  	s0 =	sld [smem:$0x3F99];
	_ =	swait.ge [sflag:s4], $0x0  }
0x19: {  	s7 =	sld [smem:$0x3F9A]  }
0x1a: {  	s8 =	sadd.s32 $0xFFFFE003, lr  }
0x1b: {  	s9 =	sadd.s32 $0xFFFFFEF7, lr;
	s5 =	simm.s32 $0xFFFFFFFF;
	p2 =	slt.u32 s8, $0xFFFFF086  }
0x1c: {  	p1 =	slt.u32 s9, $0xF7A;
	s5 =	simm.s32 @!p2 $0x0  }
0x1d: {  	s5 =	simm.s32 @p1 $0x1;
	p0 =	seq.s32 s7, s2  }
0x1e: {  	s7 =	smul.u32 @!p0 $0xF7A, s2;
	p2 =	seq.s32 @!p0 s5, $0x0  }
0x1f: {  	s9 =	smul.u32 $0xF7A, s1;
	s8 =	simm.s32 @!p0 $0x1BF5;
	p2 =	por !p2, p0  }
0x20: {  	[sflag:s8] =	ssyncset.s32 @!p0 $0xFFFFF086;
	s6 =	sadd.s32 @!p0 s3, s7;
	s7 =	simm.s32 @!p0 $0x108  }
0x21: {  	s3 =	sadd.s32 s3, s9;
	s6 =	sadd.s32 @!p0 $0x88, s6;
	s7 =	simm.s32 @p2 $0x1082  }
0x22: {  	[simem:s7], [sflag:s8] =	dma.local @!p0 [hbm:s6], $0xF7A  }
0x23: {  	s9 =	sor.u32 $0xD0000000, s2;
	s6 =	simm.s32 $0x108;
	_ =	swait.ge @!p0 [sflag:s8], $0x0  }
0x24: {  	s3 =	sadd.s32 $0x88, s3;
	s6 =	simm.s32 @!p1 $0x1082;
	[sflag:s4] =	ssyncset.s32 $0xFFFFF086  }
0x25: {  	[simem:s6], [sflag:s4] =	dma.local [hbm:s3], $0xF7A  }
0x26: {  	[smem:$0x3F9A] =	sst s1;
	(tag) =	ssettag s2;
	_ =	strace s9  }
0x27: {  	s1 =	sld [smem:$0x3FAA]  }
0x28: {  	s2 =	sld [smem:$0x3FAB]  }
0x29: {  	s4 =	sld [smem:$0x3FAD]  }
0x2a: {  	p0 =	seq.s32 s5, $0x0;
	s5 =	sld [smem:$0x3FAE]  }
0x2b: {  	s6 =	sld [smem:$0x3FAF]  }
0x2c: {  	s7 =	sld [smem:$0x3FB0]  }
0x2d: {  	s3 =	simm.s32 $0x108;
	s8 =	sld [smem:$0x3FB1]  }
0x2e: {  	s3 =	simm.s32 @!p0 $0x1082;
	s9 =	sld [smem:$0x3FB2]  }
0x2f: {  	lr =	sadd.s32 s0, s3;
	s0 =	sld [smem:$0x3FA9]  }
0x30: {  	s3 =	sld [smem:$0x3FAC]  }
0x31: {  	[smem:$0x3FB5] =	sst s10  }
0x32: {  	s10 =	sld [smem:$0x3FB3];
	_ =	sdelay $0x3  }
0x33: {  	p0 =	seq.s32 s10, $0x1;
	s10 =	sld [smem:$0x3FB5];
	_ =	sdelay $0x3  }
0x34: {  	[smem:$0x3FB5] =	sst s10  }
0x35: {  	s10 =	sld [smem:$0x3FB4];
	_ =	sdelay $0x3  }
0x36: {  	p1 =	seq.s32 s10, $0x1;
	s10 =	sld [smem:$0x3FB5];
	_ =	sdelay $0x3  }
0x37: {  	[smem:$0x3FB5] =	sst s10  }
0x38: {  	s10 =	sld [smem:$0x3FB6]  }
0x39: {  	_ = 	snop;
	(pc) =	sbr.ind lr, $3  }
0x3a: {  	_ = 	snop  }
0x3b: {  	_ = 	snop  }
0x3c: {  	p2 =	seq.s32 s10, $0x1;
	s10 =	sld [smem:$0x3FB5]  }
0x3d: {  	_ =	shalt  }
0x3e: {  	_ =	shalt  }
0x3f: {  	_ =	shalt  }
0x40: {  	_ =	shalt  }
0x41: {  	_ =	shalt  }
0x42: {  	_ =	shalt  }
0x43: {  	_ =	shalt  }
0x44: {  	_ =	shalt  }
0x45: {  	_ =	shalt  }
0x46: {  	_ =	shalt  }
0x47: {  	_ =	shalt  }
0x48: {  	_ =	shalt  }
0x49: {  	_ =	shalt  }
0x4a: {  	_ =	shalt  }
0x4b: {  	_ =	shalt  }
0x4c: {  	_ =	shalt  }
0x4d: {  	_ =	shalt  }
0x4e: {  	_ =	shalt  }
0x4f: {  	_ =	shalt  }
0x50: {  	_ =	shalt  }
0x51: {  	_ =	shalt  }
0x52: {  	_ =	shalt  }
0x53: {  	_ =	shalt  }
0x54: {  	_ =	shalt  }
0x55: {  	_ =	shalt  }
0x56: {  	_ =	shalt  }
0x57: {  	_ =	shalt  }
0x58: {  	_ =	shalt  }
0x59: {  	_ =	shalt  }
0x5a: {  	_ =	shalt  }
0x5b: {  	_ =	shalt  }
0x5c: {  	_ =	shalt  }
0x5d: {  	_ =	shalt  }
0x5e: {  	_ =	shalt  }
0x5f: {  	_ =	shalt  }
0x60: {  	_ =	shalt  }
0x61: {  	_ =	shalt  }
0x62: {  	_ =	shalt  }
0x63: {  	_ =	shalt  }
0x64: {  	_ =	shalt  }
0x65: {  	_ =	shalt  }
0x66: {  	_ =	shalt  }
0x67: {  	_ =	shalt  }
0x68: {  	_ =	shalt  }
0x69: {  	_ =	shalt  }
0x6a: {  	_ =	shalt  }
0x6b: {  	_ =	shalt  }
0x6c: {  	_ =	shalt  }
0x6d: {  	_ =	shalt  }
0x6e: {  	_ =	shalt  }
0x6f: {  	_ =	shalt  }
0x70: {  	_ =	shalt  }
0x71: {  	_ =	shalt  }
0x72: {  	_ =	shalt  }
0x73: {  	_ =	shalt  }
0x74: {  	_ =	shalt  }
0x75: {  	_ =	shalt  }
0x76: {  	_ =	shalt  }
0x77: {  	_ =	shalt  }
0x78: {  	_ =	shalt  }
0x79: {  	_ =	shalt  }
0x7a: {  	_ =	shalt  }
0x7b: {  	_ =	shalt  }
0x7c: {  	_ =	shalt  }
0x7d: {  	_ =	shalt  }
0x7e: {  	_ =	shalt  }
0x7f: {  	_ =	shalt  }
0x80: {  	_ =	shalt  }
0x81: {  	_ =	shalt  }
0x82: {  	_ =	shalt  }
0x83: {  	_ =	shalt  }
0x84: {  	_ =	shalt  }
0x85: {  	_ =	shalt  }
0x86: {  	_ =	shalt  }
0x87: {  	_ =	shalt  }
.Lfunc_end0:
.L_simem_size_0:
called_computation_lowered:
.L_overlay_start_0:
0x88: {  	s2 =	sld [smem:$0x3FD9]  }
0x89: {  	s3 =	sld [smem:$0x3FFE];
	_ =	sdelay $0x1  }
0x8a: {  	s1 =	srdreg.scid  }
0x8b: {  	s0 =	sand.u32 $0x1, s1  }
0x8c: {  	s17 =	sshll.u32 s0, $0xA;
	s2 =	sadd.s32 s3, s2  }
0x8d: {  	s2 =	sadd.s32 s2, s17  }
0x8e: {  	[smem:$0x3FC1] =	sst s2  }
0x8f: {  	_ = 	snop  }
0x90: {  	s2 =	sld [smem:$0x3FD0];
	(tm) =	ssettm $0x1  }
0x91: {  	s18 =	sld [smem:$0x3FFB];
	_ =	sdelay $0x3  }
0x92: {  	_ =	strace s18  }
0x93: {  	s3 =	sld [smem:$0x3FFC];
	_ =	sdelay $0x3  }
0x94: {  	_ =	strace s3  }
0x95: {  	s3 =	sld [smem:$0x3FFD];
	_ =	sdelay $0x3  }
0x96: {  	_ =	strace s3  }
0x97: {  	_ =	strace $0x8FFFFFFF  }
0x98: {  	s19 =	sld [smem:$0x3FDB];
	_ =	sdelay $0x1  }
0x99: {  	s4 =	simm.s32 $_scs_section_size  }
0x9a: {  	s5 =	simm.s32 $_size__tile_overlayer_lowered;
	s6 =	simm.s32 $_tile_overlayer_lowered  }
0x9b: {  	s22 =	simm.s32 $0x1BFF;
	s21 =	sshll.u32 s6, $0x1;
	s3 =	sadd.s32 s4, s19  }
0x9c: {  	s7 =	simm.s32 $0x0;
	s20 =	sshll.u32 s5, $0x1;
	s5 =	sadd.s32 s21, s3  }
0x9d: {  	[timem:s7], [sflag:s22] =	dma.local [hbm:s5], s20  }
0x9e: {  	_ =	swait.ge [sflag:s22], s20  }
0x9f: {  	s4 =	ssub.s32 $0x0, s20;
	[sflag:s22] =	ssyncset.done $0x0  }
0xa0: {  	[sflag:s22] =	ssyncadd.s32 s4;
	_ =	sdelay $0x1  }
0xa1: {  	s23 =	simm.s32 $0x1B8B  }
0xa2: {  	_ =	swait.ge [sflag:s23], $0x1  }
0xa3: {  	[sflag:s23] =	ssyncset.done $0x0  }
0xa4: {  	s25 =	simm.s32 $0x1B8E;
	s24 =	sld [smem:$0x3FFE];
	[sflag:s23] =	ssyncadd.s32 $0xFFFFFFFF  }
0xa5: {  	s26 =	simm.s32 $execute0_lowered;
	[smem:$0x3FD2] =	sst s25  }
0xa6: {  	s5 =	sshll.u32 s26, $0x1;
	_ =	strace $0x80000046;
	[dreg:$0x1] =	wrdreg $0xFFFFFFFF  }
0xa7: {  	s28 =	simm.s32 $_size_execute0_lowered;
	s3 =	sadd.s32 s3, s5;
	[dreg:$0x0] =	wrdreg $0x0  }
0xa8: {  	s5 =	sshll.u32 s28, $0x1;
	[dreg:$0x2] =	wrdreg s3  }
0xa9: {  	[dreg:$0x3] =	wrdreg s5  }
0xaa: {  	[dreg:$0x4] =	wrdreg $0xC0  }
0xab: {  	_ =	task [dreg:s7], $0x5FFFF  }
0xac: {  	[dreg:$0x1] =	wrdreg $0xFFFFFFFF  }
0xad: {  	[dreg:$0x0] =	wrdreg $0x60  }
0xae: {  	[dreg:$0x2] =	wrdreg s24  }
0xaf: {  	[dreg:$0x3] =	wrdreg s2  }
0xb0: {  	[dreg:$0x4] =	wrdreg $0x9  }
0xb1: {  	_ =	task.clear_ibuf [dreg:s7], $0x5FFFF;
	_ =	strace $0x90000046  }
0xb2: {  	s29 =	simm.s32 $0x9;
	_ =	strace $0x80000048  }
0xb3: {  	_ =	swait.ge [sflag:s29], $0x1  }
0xb4: {  	[sflag:s29] =	ssyncadd.s32 $0xFFFFFFFF  }
0xb5: {  	_ =	strace $0x90000048  }
0xb6: {  	_ =	sfence  }
0xb7: {  	s30 =	sld [smem:$0x0];
	_ =	sdelay $0x2  }
0xb8: {  	s31 =	sshll.u32 s1, $0xD;
	s1 =	sshrl.u32 s1, $0x2  }
0xb9: {  	s3 =	sand.u32 $0x4000, s31;
	s1 =	sadd.s32 s1, s30  }
0xba: {  	s0 =	sor.u32 s3, s0;
	s1 =	sshll.u32 s1, $0x11  }
0xbb: {  	s0 =	sor.u32 s1, s0  }
0xbc: {  	s0 =	sadd.s32 $0x8F2B, s0  }
0xbd: {  	[sflag:s0] =	ssyncadd.remote.s32 $0x1  }
0xbe: {  	_ =	sfence.sel $0xFFFF  }
0xbf: {  	[dreg:$0x0] =	wrdreg $0xFFFFFFFF;
	(pc) =	sbr.abs _section_cstart, $3  }
0xc0: {  	[dreg:$0x1] =	wrdreg $0xFFFFFFFF  }
0xc1: {  	_ =	task.clear_ibuf [dreg:s7], $0x2FFFF;
	_ =	strace $0x9FFFFFFF  }
0xc2: {  	(tm) =	ssettm $0x7FFFFFFF  }
0xc3: {  	_ =	shalt  }
tec
execute0_lowered:
.L_overlay_start_1:
0x0: {  	(tag) =	ssettag $0x1  }
0x1: {  	s0 =	srdreg.scid;
	s1 =	rddreg [dreg:$0x0]  }
0x2: {  	s3 =	stileid.u32;
	s2 =	rddreg [dreg:$0x1];
	s12 =	simm.s32 $0x0  }
0x3: {  	s14 =	simm.s32 $0x200;
	s26 =	simm.s32 $0x1400;
	s15 =	simm.s32 $0x100  }
0x4: {  	s16 =	simm.s32 $0x180;
	s17 =	simm.s32 $0x280;
	s18 =	simm.s32 $0x300  }
0x5: {  	s28 =	simm.s32 $0xD400;
	s7 =	simm.s32 $0xE400;
	p0 =	por $0x0, $0x0  }
0x6: {  	s29 =	simm.s32 $0xFC00;
	s30 =	simm.s32 $0x11400;
	s31 =	simm.s32 $0x12C00  }
0x7: {  	s10 =	simm.s32 $0x1;
	s9 =	simm.s32 $0x20;
	s8 =	simm.s32 $0x30  }
0x8: {  	s0 =	sand.u32 $0x1, s0;
	s3 =	sshll.u32 s3, $0xA;
	s11 =	sadd.s32 $0x188800, s1  }
0x9: {  	[smem:$0x7FF] =	sst s12;
	s6 =	sadd.s32 $0x2600, s1;
	s13 =	sadd.s32 $0x1EA400, s1  }
0xa: {  	s21 =	sadd.s32 $0x42600, s1;
	s4 =	sshll.u32 s0, $0x9;
	_ =	strace $0x80000047  }
0xb: {  	s0 =	ssub.s32 $0x2, s0;
	[dreg:$0x9] =	wrdreg s26;
	s3 =	sor.u32 s4, s3  }
0xc: {  	s26 =	simm.s32 $0xC400;
	s24 =	sshrl.u32 s0, $0x1;
	s4 =	sshrl.u32 s3, $0x3  }
0xd: {  	s3 =	sshll.u32 s3, $0x4;
	s0 =	ssub.s32 s0, s24;
	s24 =	simm.s32 $0x8C00  }
0xe: {  	s5 =	sadd.s32 s4, s1;
	s2 =	sadd.s32 s2, s4;
	s19 =	sadd.s32 s6, s3  }
0xf: {  	s20 =	sor.u32 $0x4, s3;
	s23 =	sadd.s32 s21, s3;
	s0 =	smax.u32 s0, $0x1  }
0x10: {  	s3 =	simm.s32 $0x80;
	s4 =	simm.s32 $0x400;
	[dreg:$0x4] =	wrdreg s2  }
0x11: {  	s5 =	sadd.s32 $0x1E00, s5;
	[dreg:$0x5] =	wrdreg s19;
	s22 =	sadd.s32 s6, s20  }
0x12: {  	[dreg:$0x7] =	wrdreg s23;
	s25 =	sadd.s32 s21, s20;
	p1 =	sne.s32 s0, $0x1  }
.Ltmp0:
0x13: {  	s2 =	simm.s32 $0x2;
	s20 =	simm.s32 $0x2400;
	(pc) =	sbr.rel @!p1 .LBB2_3-.Ltmp0, $4  }
0x14: {  	s21 =	simm.s32 $0x3400;
	s6 =	simm.s32 $0x4400;
	[dreg:$0x3] =	wrdreg s5  }
0x15: {  	s23 =	simm.s32 $0x7400;
	s19 =	simm.s32 $0x380;
	[dreg:$0x6] =	wrdreg s22  }
0x16: {  	s1 =	sadd.s32 $0xFFFFFFFF, s0;
	[dreg:$0x8] =	wrdreg s25;
	s22 =	simm.s32 $0x5C00  }
0x17: {  	s5 =	simm.s32 $0xA400;
	s25 =	simm.s32 $0xB400;
	s0 =	rddreg [dreg:$0x3]  }
0x18: {  	[tilespmem:s12], [sflag:$0x2] =	stream.linear.gather [hbm4b:s0+s12], $0x200, $0x38;
	[tilespmem:$0x14400] =	vst v63  }
0x19: {  	_ =	swait.ge [sflag:s2], $0x200  }
0x1a: {  	[sflag:s2] =	ssyncset.done $0x0  }
0x1b: {  	s0 =	rddreg [dreg:$0x4];
	[sflag:s2] =	ssyncadd.s32 $0xFFFFFE00  }
0x1c: {  	[tilespmem:s14], [sflag:$0x2] =	stream.linear.gather [hbm4b:s0+s12], $0x200, $0x38;
	[tilespmem:$0x14400] =	vst v63  }
0x1d: {  	_ =	swait.ge [sflag:s2], $0x200  }
0x1e: {  	[sflag:s2] =	ssyncset.done $0x0  }
0x1f: {  	[sflag:s2] =	ssyncadd.s32 $0xFFFFFE00  }
0x20: {  	[tilespmem:s4], [sflag:$0x1] =	stream.indirect.gather [hbm4b:s11+s3], $0x20, s12, s3, $0xb8;
	[tilespmem:$0x14400] =	vst v63  }
0x21: {  	s0 =	rddreg [dreg:$0x9]  }
0x22: {  	[tilespmem:s0], [sflag:$0x1] =	stream.indirect.gather [hbm4b:s11+s3], $0x20, s3, s3, $0xb8;
	[tilespmem:$0x14400] =	vst v63  }
0x23: {  	_ = 	snop  }
0x24: {  	[tilespmem:s20], [sflag:$0x1] =	stream.indirect.gather [hbm4b:s11+s3], $0x20, s15, s3, $0xb8;
	[tilespmem:$0x14400] =	vst v63  }
0x25: {  	_ = 	snop  }
0x26: {  	[tilespmem:s21], [sflag:$0x1] =	stream.indirect.gather [hbm4b:s11+s3], $0x20, s16, s3, $0xb8;
	[tilespmem:$0x14400] =	vst v63  }
0x27: {  	_ = 	snop  }
0x28: {  	[tilespmem:s6], [sflag:$0x1] =	stream.indirect.gather [hbm4b:s13+s3], $0x30, s12, s3, $0xb8;
	[tilespmem:$0x14400] =	vst v63  }
0x29: {  	_ = 	snop  }
0x2a: {  	[tilespmem:s22], [sflag:$0x1] =	stream.indirect.gather [hbm4b:s13+s3], $0x30, s3, s3, $0xb8;
	[tilespmem:$0x14400] =	vst v63  }
0x2b: {  	_ = 	snop  }
0x2c: {  	[tilespmem:s23], [sflag:$0x1] =	stream.indirect.gather [hbm4b:s13+s3], $0x30, s15, s3, $0xb8;
	[tilespmem:$0x14400] =	vst v63  }
0x2d: {  	_ = 	snop  }
0x2e: {  	[tilespmem:s24], [sflag:$0x1] =	stream.indirect.gather [hbm4b:s13+s3], $0x30, s16, s3, $0xb8;
	[tilespmem:$0x14400] =	vst v63  }
0x2f: {  	_ = 	snop  }
0x30: {  	[tilespmem:s5], [sflag:$0x1] =	stream.indirect.gather [hbm4b:s11+s3], $0x20, s14, s3, $0xb8;
	[tilespmem:$0x14400] =	vst v63  }
0x31: {  	_ = 	snop  }
0x32: {  	[tilespmem:s25], [sflag:$0x1] =	stream.indirect.gather [hbm4b:s11+s3], $0x20, s17, s3, $0xb8;
	[tilespmem:$0x14400] =	vst v63  }
0x33: {  	_ = 	snop  }
0x34: {  	[tilespmem:s26], [sflag:$0x1] =	stream.indirect.gather [hbm4b:s11+s3], $0x20, s18, s3, $0xb8;
	[tilespmem:$0x14400] =	vst v63  }
0x35: {  	_ = 	snop  }
0x36: {  	[tilespmem:s28], [sflag:$0x1] =	stream.indirect.gather [hbm4b:s11+s3], $0x20, s19, s3, $0xb8;
	[tilespmem:$0x14400] =	vst v63  }
0x37: {  	_ = 	snop  }
0x38: {  	[tilespmem:s7], [sflag:$0x1] =	stream.indirect.gather [hbm4b:s13+s3], $0x30, s14, s3, $0xb8;
	[tilespmem:$0x14400] =	vst v63  }
0x39: {  	_ = 	snop  }
0x3a: {  	[tilespmem:s29], [sflag:$0x1] =	stream.indirect.gather [hbm4b:s13+s3], $0x30, s17, s3, $0xb8;
	[tilespmem:$0x14400] =	vst v63  }
0x3b: {  	_ = 	snop  }
0x3c: {  	[tilespmem:s30], [sflag:$0x1] =	stream.indirect.gather [hbm4b:s13+s3], $0x30, s18, s3, $0xb8;
	[tilespmem:$0x14400] =	vst v63  }
0x3d: {  	_ = 	snop  }
0x3e: {  	[tilespmem:s31], [sflag:$0x1] =	stream.indirect.gather [hbm4b:s13+s3], $0x30, s19, s3, $0xb8;
	[tilespmem:$0x14400] =	vst v63  }
0x3f: {  	_ =	swait.ge [sflag:s10], $0x1000  }
0x40: {  	[sflag:s10] =	ssyncset.done $0x0  }
0x41: {  	[sflag:s10] =	ssyncadd.s32 $0xFFFFF000  }
0x42: {  	_ =	swait.ge [sflag:s10], $0x1000  }
0x43: {  	[sflag:s10] =	ssyncset.done $0x0  }
0x44: {  	[sflag:s10] =	ssyncadd.s32 $0xFFFFF000  }
0x45: {  	_ =	swait.ge [sflag:s10], $0x1000  }
0x46: {  	[sflag:s10] =	ssyncset.done $0x0  }
0x47: {  	[sflag:s10] =	ssyncadd.s32 $0xFFFFF000  }
0x48: {  	_ =	swait.ge [sflag:s10], $0x1000  }
0x49: {  	[sflag:s10] =	ssyncset.done $0x0  }
0x4a: {  	[sflag:s10] =	ssyncadd.s32 $0xFFFFF000  }
0x4b: {  	_ =	swait.ge [sflag:s10], $0x1800  }
0x4c: {  	[sflag:s10] =	ssyncset.done $0x0  }
0x4d: {  	[sflag:s10] =	ssyncadd.s32 $0xFFFFE800  }
0x4e: {  	_ =	swait.ge [sflag:s10], $0x1800  }
0x4f: {  	[sflag:s10] =	ssyncset.done $0x0  }
0x50: {  	[sflag:s10] =	ssyncadd.s32 $0xFFFFE800  }
0x51: {  	_ =	swait.ge [sflag:s10], $0x1800  }
0x52: {  	[sflag:s10] =	ssyncset.done $0x0  }
0x53: {  	[sflag:s10] =	ssyncadd.s32 $0xFFFFE800  }
0x54: {  	_ =	swait.ge [sflag:s10], $0x1800  }
0x55: {  	[sflag:s10] =	ssyncset.done $0x0  }
0x56: {  	[sflag:s10] =	ssyncadd.s32 $0xFFFFE800  }
0x57: {  	_ =	swait.ge [sflag:s10], $0x1000  }
0x58: {  	[sflag:s10] =	ssyncset.done $0x0  }
0x59: {  	[sflag:s10] =	ssyncadd.s32 $0xFFFFF000  }
0x5a: {  	_ =	swait.ge [sflag:s10], $0x1000  }
0x5b: {  	[sflag:s10] =	ssyncset.done $0x0  }
0x5c: {  	[sflag:s10] =	ssyncadd.s32 $0xFFFFF000  }
0x5d: {  	_ =	swait.ge [sflag:s10], $0x1000  }
0x5e: {  	[sflag:s10] =	ssyncset.done $0x0  }
0x5f: {  	[sflag:s10] =	ssyncadd.s32 $0xFFFFF000  }
0x60: {  	_ =	swait.ge [sflag:s10], $0x1000  }
0x61: {  	[sflag:s10] =	ssyncset.done $0x0  }
0x62: {  	[sflag:s10] =	ssyncadd.s32 $0xFFFFF000  }
0x63: {  	_ =	swait.ge [sflag:s10], $0x1800  }
0x64: {  	[sflag:s10] =	ssyncset.done $0x0  }
0x65: {  	[sflag:s10] =	ssyncadd.s32 $0xFFFFE800  }
0x66: {  	_ =	swait.ge [sflag:s10], $0x1800  }
0x67: {  	[sflag:s10] =	ssyncset.done $0x0  }
0x68: {  	[sflag:s10] =	ssyncadd.s32 $0xFFFFE800  }
0x69: {  	_ =	swait.ge [sflag:s10], $0x1800  }
0x6a: {  	[sflag:s10] =	ssyncset.done $0x0  }
0x6b: {  	[sflag:s10] =	ssyncadd.s32 $0xFFFFE800  }
0x6c: {  	_ =	swait.ge [sflag:s10], $0x1800  }
0x6d: {  	[sflag:s10] =	ssyncset.done $0x0  }
0x6e: {  	s0 =	rddreg [dreg:$0x5];
	[sflag:s10] =	ssyncadd.s32 $0xFFFFE800  }
0x6f: {  	[hbm4b:s0+s9] =	stream.strided.scatter [tilespmem:s4], [sflag:$0x2], $0x4000, s3, s9, $0x38;
	[tilespmem:$0x14400] =	vst v63  }
0x70: {  	_ =	swait.ge [sflag:s2], $0x4000  }
0x71: {  	[sflag:s2] =	ssyncset.done $0x0  }
0x72: {  	s0 =	rddreg [dreg:$0x6];
	[sflag:s2] =	ssyncadd.s32 $0xFFFFC000  }
0x73: {  	[hbm4b:s0+s8] =	stream.strided.scatter [tilespmem:s6], [sflag:$0x2], $0x6000, s3, s8, $0x38;
	[tilespmem:$0x14400] =	vst v63  }
0x74: {  	_ =	swait.ge [sflag:s2], $0x6000  }
0x75: {  	[sflag:s2] =	ssyncset.done $0x0  }
0x76: {  	s0 =	rddreg [dreg:$0x7];
	[sflag:s2] =	ssyncadd.s32 $0xFFFFA000  }
0x77: {  	[hbm4b:s0+s9] =	stream.strided.scatter [tilespmem:s5], [sflag:$0x2], $0x4000, s3, s9, $0x38;
	[tilespmem:$0x14400] =	vst v63  }
0x78: {  	p1 =	sne.s32 s1, $0x1;
	_ =	swait.ge [sflag:s2], $0x4000  }
.Ltmp1:
0x79: {  	[sflag:s2] =	ssyncset.done $0x0;
	(pc) =	sbr.rel @!p1 .LBB2_3-.Ltmp1, $4  }
0x7a: {  	s0 =	rddreg [dreg:$0x8];
	[sflag:s2] =	ssyncadd.s32 $0xFFFFC000  }
0x7b: {  	[hbm4b:s0+s8] =	stream.strided.scatter [tilespmem:s7], [sflag:$0x2], $0x6000, s3, s8, $0x38;
	[tilespmem:$0x14400] =	vst v63  }
0x7c: {  	s1 =	sadd.s32 $0xFFFFFFFF, s1;
	_ =	swait.ge [sflag:s2], $0x6000  }
0x7d: {  	p0 =	por $0x1, $0x1;
	s0 =	rddreg [dreg:$0x3];
	[sflag:s2] =	ssyncset.done $0x0  }
.LBB2_2:
0x7e: {  	[sflag:s2] =	ssyncadd.s32 $0xFFFFA000  }
0x7f: {  	[tilespmem:s12], [sflag:$0x2] =	stream.linear.gather [hbm4b:s0+s12], $0x200, $0x38;
	[tilespmem:$0x14400] =	vst v63  }
0x80: {  	_ =	swait.ge [sflag:s2], $0x200  }
0x81: {  	[sflag:s2] =	ssyncset.done $0x0  }
0x82: {  	s0 =	rddreg [dreg:$0x4];
	[sflag:s2] =	ssyncadd.s32 $0xFFFFFE00  }
0x83: {  	[tilespmem:s14], [sflag:$0x2] =	stream.linear.gather [hbm4b:s0+s12], $0x200, $0x38;
	[tilespmem:$0x14400] =	vst v63  }
0x84: {  	_ =	swait.ge [sflag:s2], $0x200  }
0x85: {  	[sflag:s2] =	ssyncset.done $0x0  }
0x86: {  	[sflag:s2] =	ssyncadd.s32 $0xFFFFFE00  }
0x87: {  	[tilespmem:s4], [sflag:$0x1] =	stream.indirect.gather [hbm4b:s11+s3], $0x20, s12, s3, $0xb8;
	[tilespmem:$0x14400] =	vst v63  }
0x88: {  	s0 =	rddreg [dreg:$0x9]  }
0x89: {  	[tilespmem:s0], [sflag:$0x1] =	stream.indirect.gather [hbm4b:s11+s3], $0x20, s3, s3, $0xb8;
	[tilespmem:$0x14400] =	vst v63  }
0x8a: {  	_ = 	snop  }
0x8b: {  	[tilespmem:s20], [sflag:$0x1] =	stream.indirect.gather [hbm4b:s11+s3], $0x20, s15, s3, $0xb8;
	[tilespmem:$0x14400] =	vst v63  }
0x8c: {  	_ = 	snop  }
0x8d: {  	[tilespmem:s21], [sflag:$0x1] =	stream.indirect.gather [hbm4b:s11+s3], $0x20, s16, s3, $0xb8;
	[tilespmem:$0x14400] =	vst v63  }
0x8e: {  	_ = 	snop  }
0x8f: {  	[tilespmem:s6], [sflag:$0x1] =	stream.indirect.gather [hbm4b:s13+s3], $0x30, s12, s3, $0xb8;
	[tilespmem:$0x14400] =	vst v63  }
0x90: {  	_ = 	snop  }
0x91: {  	[tilespmem:s22], [sflag:$0x1] =	stream.indirect.gather [hbm4b:s13+s3], $0x30, s3, s3, $0xb8;
	[tilespmem:$0x14400] =	vst v63  }
0x92: {  	_ = 	snop  }
0x93: {  	[tilespmem:s23], [sflag:$0x1] =	stream.indirect.gather [hbm4b:s13+s3], $0x30, s15, s3, $0xb8;
	[tilespmem:$0x14400] =	vst v63  }
0x94: {  	_ = 	snop  }
0x95: {  	[tilespmem:s24], [sflag:$0x1] =	stream.indirect.gather [hbm4b:s13+s3], $0x30, s16, s3, $0xb8;
	[tilespmem:$0x14400] =	vst v63  }
0x96: {  	_ = 	snop  }
0x97: {  	[tilespmem:s5], [sflag:$0x1] =	stream.indirect.gather [hbm4b:s11+s3], $0x20, s14, s3, $0xb8;
	[tilespmem:$0x14400] =	vst v63  }
0x98: {  	_ = 	snop  }
0x99: {  	[tilespmem:s25], [sflag:$0x1] =	stream.indirect.gather [hbm4b:s11+s3], $0x20, s17, s3, $0xb8;
	[tilespmem:$0x14400] =	vst v63  }
0x9a: {  	_ = 	snop  }
0x9b: {  	[tilespmem:s26], [sflag:$0x1] =	stream.indirect.gather [hbm4b:s11+s3], $0x20, s18, s3, $0xb8;
	[tilespmem:$0x14400] =	vst v63  }
0x9c: {  	_ = 	snop  }
0x9d: {  	[tilespmem:s28], [sflag:$0x1] =	stream.indirect.gather [hbm4b:s11+s3], $0x20, s19, s3, $0xb8;
	[tilespmem:$0x14400] =	vst v63  }
0x9e: {  	_ = 	snop  }
0x9f: {  	[tilespmem:s7], [sflag:$0x1] =	stream.indirect.gather [hbm4b:s13+s3], $0x30, s14, s3, $0xb8;
	[tilespmem:$0x14400] =	vst v63  }
0xa0: {  	_ = 	snop  }
0xa1: {  	[tilespmem:s29], [sflag:$0x1] =	stream.indirect.gather [hbm4b:s13+s3], $0x30, s17, s3, $0xb8;
	[tilespmem:$0x14400] =	vst v63  }
0xa2: {  	_ = 	snop  }
0xa3: {  	[tilespmem:s30], [sflag:$0x1] =	stream.indirect.gather [hbm4b:s13+s3], $0x30, s18, s3, $0xb8;
	[tilespmem:$0x14400] =	vst v63  }
0xa4: {  	_ = 	snop  }
0xa5: {  	[tilespmem:s31], [sflag:$0x1] =	stream.indirect.gather [hbm4b:s13+s3], $0x30, s19, s3, $0xb8;
	[tilespmem:$0x14400] =	vst v63  }
0xa6: {  	_ =	swait.ge [sflag:s10], $0x1000  }
0xa7: {  	[sflag:s10] =	ssyncset.done $0x0  }
0xa8: {  	[sflag:s10] =	ssyncadd.s32 $0xFFFFF000  }
0xa9: {  	_ =	swait.ge [sflag:s10], $0x1000  }
0xaa: {  	[sflag:s10] =	ssyncset.done $0x0  }
0xab: {  	[sflag:s10] =	ssyncadd.s32 $0xFFFFF000  }
0xac: {  	_ =	swait.ge [sflag:s10], $0x1000  }
0xad: {  	[sflag:s10] =	ssyncset.done $0x0  }
0xae: {  	[sflag:s10] =	ssyncadd.s32 $0xFFFFF000  }
0xaf: {  	_ =	swait.ge [sflag:s10], $0x1000  }
0xb0: {  	[sflag:s10] =	ssyncset.done $0x0  }
0xb1: {  	[sflag:s10] =	ssyncadd.s32 $0xFFFFF000  }
0xb2: {  	_ =	swait.ge [sflag:s10], $0x1800  }
0xb3: {  	[sflag:s10] =	ssyncset.done $0x0  }
0xb4: {  	[sflag:s10] =	ssyncadd.s32 $0xFFFFE800  }
0xb5: {  	_ =	swait.ge [sflag:s10], $0x1800  }
0xb6: {  	[sflag:s10] =	ssyncset.done $0x0  }
0xb7: {  	[sflag:s10] =	ssyncadd.s32 $0xFFFFE800  }
0xb8: {  	_ =	swait.ge [sflag:s10], $0x1800  }
0xb9: {  	[sflag:s10] =	ssyncset.done $0x0  }
0xba: {  	[sflag:s10] =	ssyncadd.s32 $0xFFFFE800  }
0xbb: {  	_ =	swait.ge [sflag:s10], $0x1800  }
0xbc: {  	[sflag:s10] =	ssyncset.done $0x0  }
0xbd: {  	[sflag:s10] =	ssyncadd.s32 $0xFFFFE800  }
0xbe: {  	_ =	swait.ge [sflag:s10], $0x1000  }
0xbf: {  	[sflag:s10] =	ssyncset.done $0x0  }
0xc0: {  	[sflag:s10] =	ssyncadd.s32 $0xFFFFF000  }
0xc1: {  	_ =	swait.ge [sflag:s10], $0x1000  }
0xc2: {  	[sflag:s10] =	ssyncset.done $0x0  }
0xc3: {  	[sflag:s10] =	ssyncadd.s32 $0xFFFFF000  }
0xc4: {  	_ =	swait.ge [sflag:s10], $0x1000  }
0xc5: {  	[sflag:s10] =	ssyncset.done $0x0  }
0xc6: {  	[sflag:s10] =	ssyncadd.s32 $0xFFFFF000  }
0xc7: {  	_ =	swait.ge [sflag:s10], $0x1000  }
0xc8: {  	[sflag:s10] =	ssyncset.done $0x0  }
0xc9: {  	[sflag:s10] =	ssyncadd.s32 $0xFFFFF000  }
0xca: {  	_ =	swait.ge [sflag:s10], $0x1800  }
0xcb: {  	[sflag:s10] =	ssyncset.done $0x0  }
0xcc: {  	[sflag:s10] =	ssyncadd.s32 $0xFFFFE800  }
0xcd: {  	_ =	swait.ge [sflag:s10], $0x1800  }
0xce: {  	[sflag:s10] =	ssyncset.done $0x0  }
0xcf: {  	[sflag:s10] =	ssyncadd.s32 $0xFFFFE800  }
0xd0: {  	_ =	swait.ge [sflag:s10], $0x1800  }
0xd1: {  	[sflag:s10] =	ssyncset.done $0x0  }
0xd2: {  	[sflag:s10] =	ssyncadd.s32 $0xFFFFE800  }
0xd3: {  	_ =	swait.ge [sflag:s10], $0x1800  }
0xd4: {  	[sflag:s10] =	ssyncset.done $0x0  }
0xd5: {  	s0 =	rddreg [dreg:$0x5];
	[sflag:s10] =	ssyncadd.s32 $0xFFFFE800  }
0xd6: {  	[hbm4b:s0+s9] =	stream.strided.scatter [tilespmem:s4], [sflag:$0x2], $0x4000, s3, s9, $0x38;
	[tilespmem:$0x14400] =	vst v63  }
0xd7: {  	_ =	swait.ge [sflag:s2], $0x4000  }
0xd8: {  	[sflag:s2] =	ssyncset.done $0x0  }
0xd9: {  	s0 =	rddreg [dreg:$0x6];
	[sflag:s2] =	ssyncadd.s32 $0xFFFFC000  }
0xda: {  	[hbm4b:s0+s8] =	stream.strided.scatter [tilespmem:s6], [sflag:$0x2], $0x6000, s3, s8, $0x38;
	[tilespmem:$0x14400] =	vst v63  }
0xdb: {  	_ =	swait.ge [sflag:s2], $0x6000  }
0xdc: {  	[sflag:s2] =	ssyncset.done $0x0  }
0xdd: {  	s0 =	rddreg [dreg:$0x7];
	[sflag:s2] =	ssyncadd.s32 $0xFFFFA000  }
0xde: {  	[hbm4b:s0+s9] =	stream.strided.scatter [tilespmem:s5], [sflag:$0x2], $0x4000, s3, s9, $0x38;
	[tilespmem:$0x14400] =	vst v63  }
0xdf: {  	p1 =	sne.s32 s1, $0x1;
	_ =	swait.ge [sflag:s2], $0x4000  }
.Ltmp2:
0xe0: {  	[sflag:s2] =	ssyncset.done $0x0;
	(pc) =	sbr.rel @p1 .LBB2_2-.Ltmp2, $4  }
0xe1: {  	s0 =	rddreg [dreg:$0x8];
	[sflag:s2] =	ssyncadd.s32 $0xFFFFC000  }
0xe2: {  	[hbm4b:s0+s8] =	stream.strided.scatter [tilespmem:s7], [sflag:$0x2], $0x6000, s3, s8, $0x38;
	[tilespmem:$0x14400] =	vst v63  }
0xe3: {  	_ =	swait.ge [sflag:s2], $0x6000  }
0xe4: {  	s1 =	sadd.s32 $0xFFFFFFFF, s1;
	s0 =	rddreg [dreg:$0x3];
	[sflag:s2] =	ssyncset.done $0x0  }
.LBB2_3:
0xe5: {  	[sflag:s2] =	ssyncadd.s32 @p0 $0xFFFFA000  }
0xe6: {  	[tilespmem:s12], [sflag:$0x2] =	stream.linear.gather [hbm4b:s0+s12], $0x200, $0x38;
	[tilespmem:$0x14400] =	vst v63  }
0xe7: {  	_ =	swait.ge [sflag:s2], $0x200  }
0xe8: {  	[sflag:s2] =	ssyncset.done $0x0  }
0xe9: {  	s1 =	rddreg [dreg:$0x4];
	[sflag:s2] =	ssyncadd.s32 $0xFFFFFE00  }
0xea: {  	[tilespmem:s14], [sflag:$0x2] =	stream.linear.gather [hbm4b:s1+s12], $0x200, $0x38;
	[tilespmem:$0x14400] =	vst v63  }
0xeb: {  	_ =	swait.ge [sflag:s2], $0x200  }
0xec: {  	[sflag:s2] =	ssyncset.done $0x0  }
0xed: {  	[sflag:s2] =	ssyncadd.s32 $0xFFFFFE00  }
0xee: {  	[tilespmem:s4], [sflag:$0x1] =	stream.indirect.gather [hbm4b:s11+s3], $0x20, s12, s3, $0xb8;
	[tilespmem:$0x14400] =	vst v63  }
0xef: {  	s1 =	rddreg [dreg:$0x9]  }
0xf0: {  	[tilespmem:s1], [sflag:$0x1] =	stream.indirect.gather [hbm4b:s11+s3], $0x20, s3, s3, $0xb8;
	[tilespmem:$0x14400] =	vst v63  }
0xf1: {  	_ = 	snop  }
0xf2: {  	[tilespmem:s20], [sflag:$0x1] =	stream.indirect.gather [hbm4b:s11+s3], $0x20, s15, s3, $0xb8;
	[tilespmem:$0x14400] =	vst v63  }
0xf3: {  	_ = 	snop  }
0xf4: {  	[tilespmem:s21], [sflag:$0x1] =	stream.indirect.gather [hbm4b:s11+s3], $0x20, s16, s3, $0xb8;
	[tilespmem:$0x14400] =	vst v63  }
0xf5: {  	_ = 	snop  }
0xf6: {  	[tilespmem:s6], [sflag:$0x1] =	stream.indirect.gather [hbm4b:s13+s3], $0x30, s12, s3, $0xb8;
	[tilespmem:$0x14400] =	vst v63  }
0xf7: {  	_ = 	snop  }
0xf8: {  	[tilespmem:s22], [sflag:$0x1] =	stream.indirect.gather [hbm4b:s13+s3], $0x30, s3, s3, $0xb8;
	[tilespmem:$0x14400] =	vst v63  }
0xf9: {  	_ = 	snop  }
0xfa: {  	[tilespmem:s23], [sflag:$0x1] =	stream.indirect.gather [hbm4b:s13+s3], $0x30, s15, s3, $0xb8;
	[tilespmem:$0x14400] =	vst v63  }
0xfb: {  	_ = 	snop  }
0xfc: {  	[tilespmem:s24], [sflag:$0x1] =	stream.indirect.gather [hbm4b:s13+s3], $0x30, s16, s3, $0xb8;
	[tilespmem:$0x14400] =	vst v63  }
0xfd: {  	_ = 	snop  }
0xfe: {  	[tilespmem:s5], [sflag:$0x1] =	stream.indirect.gather [hbm4b:s11+s3], $0x20, s14, s3, $0xb8;
	[tilespmem:$0x14400] =	vst v63  }
0xff: {  	_ = 	snop  }
0x100: {  	[tilespmem:s25], [sflag:$0x1] =	stream.indirect.gather [hbm4b:s11+s3], $0x20, s17, s3, $0xb8;
	[tilespmem:$0x14400] =	vst v63  }
0x101: {  	_ = 	snop  }
0x102: {  	[tilespmem:s26], [sflag:$0x1] =	stream.indirect.gather [hbm4b:s11+s3], $0x20, s18, s3, $0xb8;
	[tilespmem:$0x14400] =	vst v63  }
0x103: {  	_ = 	snop  }
0x104: {  	[tilespmem:s28], [sflag:$0x1] =	stream.indirect.gather [hbm4b:s11+s3], $0x20, s19, s3, $0xb8;
	[tilespmem:$0x14400] =	vst v63  }
0x105: {  	_ = 	snop  }
0x106: {  	[tilespmem:s7], [sflag:$0x1] =	stream.indirect.gather [hbm4b:s13+s3], $0x30, s14, s3, $0xb8;
	[tilespmem:$0x14400] =	vst v63  }
0x107: {  	_ = 	snop  }
0x108: {  	[tilespmem:s29], [sflag:$0x1] =	stream.indirect.gather [hbm4b:s13+s3], $0x30, s17, s3, $0xb8;
	[tilespmem:$0x14400] =	vst v63  }
0x109: {  	_ = 	snop  }
0x10a: {  	[tilespmem:s30], [sflag:$0x1] =	stream.indirect.gather [hbm4b:s13+s3], $0x30, s18, s3, $0xb8;
	[tilespmem:$0x14400] =	vst v63  }
0x10b: {  	_ = 	snop  }
0x10c: {  	[tilespmem:s31], [sflag:$0x1] =	stream.indirect.gather [hbm4b:s13+s3], $0x30, s19, s3, $0xb8;
	[tilespmem:$0x14400] =	vst v63  }
0x10d: {  	_ =	swait.ge [sflag:s10], $0x1000  }
0x10e: {  	[sflag:s10] =	ssyncset.done $0x0  }
0x10f: {  	[sflag:s10] =	ssyncadd.s32 $0xFFFFF000  }
0x110: {  	_ =	swait.ge [sflag:s10], $0x1000  }
0x111: {  	[sflag:s10] =	ssyncset.done $0x0  }
0x112: {  	[sflag:s10] =	ssyncadd.s32 $0xFFFFF000  }
0x113: {  	_ =	swait.ge [sflag:s10], $0x1000  }
0x114: {  	[sflag:s10] =	ssyncset.done $0x0  }
0x115: {  	[sflag:s10] =	ssyncadd.s32 $0xFFFFF000  }
0x116: {  	_ =	swait.ge [sflag:s10], $0x1000  }
0x117: {  	[sflag:s10] =	ssyncset.done $0x0  }
0x118: {  	[sflag:s10] =	ssyncadd.s32 $0xFFFFF000  }
0x119: {  	_ =	swait.ge [sflag:s10], $0x1800  }
0x11a: {  	[sflag:s10] =	ssyncset.done $0x0  }
0x11b: {  	[sflag:s10] =	ssyncadd.s32 $0xFFFFE800  }
0x11c: {  	_ =	swait.ge [sflag:s10], $0x1800  }
0x11d: {  	[sflag:s10] =	ssyncset.done $0x0  }
0x11e: {  	[sflag:s10] =	ssyncadd.s32 $0xFFFFE800  }
0x11f: {  	_ =	swait.ge [sflag:s10], $0x1800  }
0x120: {  	[sflag:s10] =	ssyncset.done $0x0  }
0x121: {  	[sflag:s10] =	ssyncadd.s32 $0xFFFFE800  }
0x122: {  	_ =	swait.ge [sflag:s10], $0x1800  }
0x123: {  	[sflag:s10] =	ssyncset.done $0x0  }
0x124: {  	[sflag:s10] =	ssyncadd.s32 $0xFFFFE800  }
0x125: {  	_ =	swait.ge [sflag:s10], $0x1000  }
0x126: {  	[sflag:s10] =	ssyncset.done $0x0  }
0x127: {  	[sflag:s10] =	ssyncadd.s32 $0xFFFFF000  }
0x128: {  	_ =	swait.ge [sflag:s10], $0x1000  }
0x129: {  	[sflag:s10] =	ssyncset.done $0x0  }
0x12a: {  	[sflag:s10] =	ssyncadd.s32 $0xFFFFF000  }
0x12b: {  	_ =	swait.ge [sflag:s10], $0x1000  }
0x12c: {  	[sflag:s10] =	ssyncset.done $0x0  }
0x12d: {  	[sflag:s10] =	ssyncadd.s32 $0xFFFFF000  }
0x12e: {  	_ =	swait.ge [sflag:s10], $0x1000  }
0x12f: {  	[sflag:s10] =	ssyncset.done $0x0  }
0x130: {  	[sflag:s10] =	ssyncadd.s32 $0xFFFFF000  }
0x131: {  	_ =	swait.ge [sflag:s10], $0x1800  }
0x132: {  	[sflag:s10] =	ssyncset.done $0x0  }
0x133: {  	[sflag:s10] =	ssyncadd.s32 $0xFFFFE800  }
0x134: {  	_ =	swait.ge [sflag:s10], $0x1800  }
0x135: {  	[sflag:s10] =	ssyncset.done $0x0  }
0x136: {  	[sflag:s10] =	ssyncadd.s32 $0xFFFFE800  }
0x137: {  	_ =	swait.ge [sflag:s10], $0x1800  }
0x138: {  	[sflag:s10] =	ssyncset.done $0x0  }
0x139: {  	[sflag:s10] =	ssyncadd.s32 $0xFFFFE800  }
0x13a: {  	_ =	swait.ge [sflag:s10], $0x1800  }
0x13b: {  	[sflag:s10] =	ssyncset.done $0x0  }
0x13c: {  	s26 =	rddreg [dreg:$0x5];
	[sflag:s10] =	ssyncadd.s32 $0xFFFFE800  }
0x13d: {  	[hbm4b:s26+s9] =	stream.strided.scatter [tilespmem:s4], [sflag:$0x2], $0x4000, s3, s9, $0x38;
	[tilespmem:$0x14400] =	vst v63  }
0x13e: {  	_ =	swait.ge [sflag:s2], $0x4000  }
0x13f: {  	[sflag:s2] =	ssyncset.done $0x0  }
0x140: {  	s28 =	rddreg [dreg:$0x6];
	[sflag:s2] =	ssyncadd.s32 $0xFFFFC000  }
0x141: {  	[hbm4b:s28+s8] =	stream.strided.scatter [tilespmem:s6], [sflag:$0x2], $0x6000, s3, s8, $0x38;
	[tilespmem:$0x14400] =	vst v63  }
0x142: {  	_ =	swait.ge [sflag:s2], $0x6000  }
0x143: {  	[sflag:s2] =	ssyncset.done $0x0  }
0x144: {  	s29 =	rddreg [dreg:$0x7];
	[sflag:s2] =	ssyncadd.s32 $0xFFFFA000  }
0x145: {  	[hbm4b:s29+s9] =	stream.strided.scatter [tilespmem:s5], [sflag:$0x2], $0x4000, s3, s9, $0x38;
	[tilespmem:$0x14400] =	vst v63  }
0x146: {  	_ =	swait.ge [sflag:s2], $0x4000  }
0x147: {  	[sflag:s2] =	ssyncset.done $0x0  }
0x148: {  	s30 =	rddreg [dreg:$0x8];
	[sflag:s2] =	ssyncadd.s32 $0xFFFFC000  }
0x149: {  	[hbm4b:s30+s8] =	stream.strided.scatter [tilespmem:s7], [sflag:$0x2], $0x6000, s3, s8, $0x38;
	[tilespmem:$0x14400] =	vst v63  }
0x14a: {  	_ =	swait.ge [sflag:s2], $0x6000  }
0x14b: {  	[sflag:s2] =	ssyncset.done $0x0  }
0x14c: {  	[sflag:s2] =	ssyncadd.s32 $0xFFFFA000  }
0x14d: {  	_ =	sfence.sel $0x180000  }
0x14e: {  	[bflag:$0x0] =	sbarrier.arrive $0xFFFF  }
0x14f: {  	_ =	strace $0x90000047  }
0x150: {  	s31 =	stileid.u32;
	[bflag:$0x2] =	sbarrier.arrive $0xFFFF  }
0x151: {  	p0 =	sne.s32 s31, $0x0;
	s0 =	rddreg [dreg:$0x2]  }
0x152: {  	s0 =	sadd.s32 @!p0 $0x100000, s0  }
0x153: {  	[sflag:s0] =	ssyncadd.tile.s32 @!p0 $0x1;
	_ =	shalt  }
.Lfunc_end2:
_tile_overlayer_lowered:
.L_overlay_start_2:
0x154: {  	(tag) =	ssettag $0x2  }
0x155: {  	s0 =	rddreg [dreg:$0x0];
	s2 =	stileid.u32  }
0x156: {  	s1 =	rddreg [dreg:$0x1];
	p0 =	sne.s32 s2, $0x0  }
0x157: {  	s3 =	rddreg [dreg:$0x2];
	[bflag:$0x3] =	sbarrier.arrive $0xFFFF;
	s2 =	simm.s32 @!p0 $0x1C02  }
0x158: {  	[timem:s3], [sflag:s2] =	dma.local @!p0 [hbm:s0], s1  }
0x159: {  	s0 =	simm.s32 @!p0 $0x2  }
0x15a: {  	_ =	swait.ge @!p0 [sflag:s0], s1  }
0x15b: {  	s1 =	ssub.s32 @!p0 $0x0, s1;
	[sflag:s0] =	ssyncset.done @!p0 $0x0  }
0x15c: {  	[sflag:s0] =	ssyncadd.s32 @!p0 s1  }
0x15d: {  	[bflag:$0x3] =	sbarrier.arrive $0xFFFF  }
0x15e: {  	_ =	shalt  }

</sc_bundles>
